<compile_context>
chip_gen: v7x
topology: tpu7x:2x2x1
jax: 0.10.2.dev20260603
libtpu: 0.0.44.dev20260713+nightly
codegen_flags: <defaults>
</compile_context>

<pallas_src>
import functools

import jax
import jax.numpy as jnp
from jax import lax
from jax.experimental import pallas as pl
from jax.experimental.pallas import tpu as pltpu
from jax.experimental.pallas import tpu_sc as plsc

D_MODEL = 768
D_FF = 1024
N_A = 2
N_B = 4
N_E = N_A * N_B
SEQ = 2048
BLK = 512
MAXB = 11
NSLOT = MAXB * BLK


def _gating_body(x_ref, gaw_ref, gab_ref, gbw_ref, gbb_ref,
                 slot_ref, be_ref, nb_ref, aux_ref):
    xv = x_ref[...]
    dn = (((1,), (1,)), ((), ()))
    la = lax.dot_general(xv, gaw_ref[...], dn,
                         preferred_element_type=jnp.float32) + gab_ref[...]
    lb = lax.dot_general(xv, gbw_ref[...], dn,
                         preferred_element_type=jnp.float32) + gbb_ref[...]

    pa = jax.nn.softmax(la, axis=-1)
    pb = jax.nn.softmax(lb, axis=-1)

    def first_argmax(p, n):
        m = jnp.max(p, axis=-1, keepdims=True)
        io = lax.broadcasted_iota(jnp.int32, p.shape, 1).astype(jnp.float32)
        return jnp.min(jnp.where(p == m, io, float(n)), axis=-1, keepdims=True)

    ia = first_argmax(pa, N_A)
    ib = first_argmax(pb, N_B)
    e_col = ia * N_B + ib

    ioe = lax.broadcasted_iota(jnp.int32, (SEQ, N_E), 1).astype(jnp.float32)
    oh = (ioe == e_col).astype(jnp.float32)

    ioa = lax.broadcasted_iota(jnp.int32, (SEQ, N_A), 1).astype(jnp.float32)
    iob = lax.broadcasted_iota(jnp.int32, (SEQ, N_B), 1).astype(jnp.float32)
    oha = (ioa == ia).astype(jnp.float32)
    ohb = (iob == ib).astype(jnp.float32)
    aux_a = N_A * jnp.sum(jnp.mean(pa, axis=0, keepdims=True)
                          * jnp.mean(oha, axis=0, keepdims=True))
    aux_b = N_B * jnp.sum(jnp.mean(pb, axis=0, keepdims=True)
                          * jnp.mean(ohb, axis=0, keepdims=True))
    aux_ref[...] = jnp.full((1, 1), 0.0) + aux_a + aux_b

    counts = jnp.sum(oh, axis=0, keepdims=True)
    counts8 = counts.reshape(N_E, 1)
    nblk8 = jnp.ceil(counts8 / float(BLK))
    r8 = lax.broadcasted_iota(jnp.int32, (N_E, N_E), 0).astype(jnp.float32)
    c8 = lax.broadcasted_iota(jnp.int32, (N_E, N_E), 1).astype(jnp.float32)
    lower_incl = (c8 <= r8).astype(jnp.float32)
    ends8 = jnp.dot(lower_incl, nblk8,
                    preferred_element_type=jnp.float32)
    off_rows8 = (ends8 - nblk8) * float(BLK)

    rc = 128
    rr = lax.broadcasted_iota(jnp.int32, (rc, rc), 0).astype(jnp.float32)
    cc = lax.broadcasted_iota(jnp.int32, (rc, rc), 1).astype(jnp.float32)
    tri = (cc < rr).astype(jnp.float32)
    base = jnp.zeros((1, N_E), jnp.float32)
    ranks = []
    for i in range(SEQ // rc):
        blk = lax.slice(oh, (i * rc, 0), ((i + 1) * rc, N_E))
        ranks.append(jnp.dot(tri, blk, preferred_element_type=jnp.float32)
                     + base)
        base = base + jnp.sum(blk, axis=0, keepdims=True)
    rank = jnp.concatenate(ranks, axis=0)

    off_tok = jnp.dot(oh, off_rows8,
                      preferred_element_type=jnp.float32)
    rank_tok = jnp.sum(oh * rank, axis=1, keepdims=True)
    slot = off_tok + rank_tok
    slot_ref[...] = slot.astype(jnp.int32).reshape(SEQ // 128, 128)

    iom = lax.broadcasted_iota(jnp.int32, (N_E, MAXB), 1).astype(jnp.float32)
    ended = (jnp.broadcast_to(ends8, (N_E, MAXB)) <= iom).astype(jnp.float32)
    be_raw = jnp.sum(ended, axis=0, keepdims=True)
    nb = lax.slice(ends8, (N_E - 1, 0), (N_E, 1))
    active = lax.broadcasted_iota(
        jnp.int32, (1, MAXB), 1).astype(jnp.float32) < nb
    be_last = jnp.max(jnp.where(active, be_raw, 0.0))
    be = jnp.minimum(be_raw, be_last)
    be_ref[...] = be.astype(jnp.int32)
    nb_ref[...] = nb.astype(jnp.int32)


def _gating_call(xf, gaw, gab, gbw, gbb):
    return pl.pallas_call(
        _gating_body,
        out_shape=[
            jax.ShapeDtypeStruct((SEQ // 128, 128), jnp.int32),
            jax.ShapeDtypeStruct((1, MAXB), jnp.int32),
            jax.ShapeDtypeStruct((1, 1), jnp.int32),
            jax.ShapeDtypeStruct((1, 1), jnp.float32),
        ],
    )(xf, gaw, gab, gbw, gbb)


_NC, _NS = 2, 16
_NW = _NC * _NS
_BPW = SEQ // _NW


@functools.cache
def _sc_kernels():
    mesh = plsc.VectorSubcoreMesh(core_axis_name="c", subcore_axis_name="s")

    @functools.partial(
        pl.kernel,
        mesh=mesh,
        out_type=jax.ShapeDtypeStruct((NSLOT, D_MODEL), jnp.float32),
        scratch_types=[
            pltpu.VMEM((_BPW,), jnp.int32),
            pltpu.VMEM((_BPW, D_MODEL), jnp.float32),
            pltpu.SemaphoreType.DMA,
        ],
    )
    def dispatch_scatter(x_hbm, slot_hbm, xs_hbm, idx_v, rows_v, sem):
        wid = lax.axis_index("s") * _NC + lax.axis_index("c")
        base = wid * _BPW
        pltpu.sync_copy(slot_hbm.at[pl.ds(base, _BPW)], idx_v)
        pltpu.sync_copy(x_hbm.at[pl.ds(base, _BPW)], rows_v)
        pltpu.async_copy(rows_v, xs_hbm.at[idx_v], sem).wait()

    @functools.partial(
        pl.kernel,
        mesh=mesh,
        out_type=jax.ShapeDtypeStruct((SEQ, D_MODEL), jnp.float32),
        scratch_types=[
            pltpu.VMEM((_BPW,), jnp.int32),
            pltpu.VMEM((_BPW, D_MODEL), jnp.float32),
            pltpu.SemaphoreType.DMA,
        ],
    )
    def combine_gather(ys_hbm, slot_hbm, out_hbm, idx_v, rows_v, sem):
        wid = lax.axis_index("s") * _NC + lax.axis_index("c")
        base = wid * _BPW
        pltpu.sync_copy(slot_hbm.at[pl.ds(base, _BPW)], idx_v)
        pltpu.async_copy(ys_hbm.at[idx_v], rows_v, sem).wait()
        pltpu.sync_copy(rows_v, out_hbm.at[pl.ds(base, _BPW)])

    return dispatch_scatter, combine_gather


def _ffn_body(be_ref, nb_ref, x_ref, w1_ref, b1_ref, w2_ref, b2_ref, o_ref):
    i = pl.program_id(0)

    @pl.when(i < nb_ref[0])
    def _():
        xb = x_ref[...]
        h = jnp.dot(xb, w1_ref[0], preferred_element_type=jnp.float32)
        h = h + b1_ref[0]
        a = h[:, :D_FF]
        g = h[:, D_FF:]
        act = a * (g * lax.logistic(g))
        y = jnp.dot(act, w2_ref[0], preferred_element_type=jnp.float32)
        o_ref[...] = y + b2_ref[0]


def _ffn_call(be, nb, xs, w1, b1, w2, b2):
    grid_spec = pltpu.PrefetchScalarGridSpec(
        num_scalar_prefetch=2,
        grid=(MAXB,),
        in_specs=[
            pl.BlockSpec((BLK, D_MODEL),
                         lambda i, be, nb: (jnp.minimum(i, nb[0] - 1), 0)),
            pl.BlockSpec((1, D_MODEL, 2 * D_FF),
                         lambda i, be, nb: (be[i], 0, 0)),
            pl.BlockSpec((1, 1, 2 * D_FF), lambda i, be, nb: (be[i], 0, 0)),
            pl.BlockSpec((1, D_FF, D_MODEL),
                         lambda i, be, nb: (be[i], 0, 0)),
            pl.BlockSpec((1, 1, D_MODEL), lambda i, be, nb: (be[i], 0, 0)),
        ],
        out_specs=pl.BlockSpec((BLK, D_MODEL),
                               lambda i, be, nb: (jnp.minimum(i, nb[0] - 1), 0)),
    )
    return pl.pallas_call(
        _ffn_body,
        grid_spec=grid_spec,
        out_shape=jax.ShapeDtypeStruct((NSLOT, D_MODEL), jnp.float32),
    )(be, nb, xs, w1, b1, w2, b2)


def kernel(x, gA_w, gA_b, gB_w, gB_b, w1_w, w1_b, w2_w, w2_b):
    b, s, d = x.shape
    xf = x.reshape(s, d)

    slot2d, be2d, nb2d, aux2d = _gating_call(
        xf, gA_w.T, gA_b.reshape(1, N_A), gB_w.T, gB_b.reshape(1, N_B))
    slot = slot2d.reshape(s)
    be = be2d.reshape(MAXB)
    nb = nb2d.reshape(1)

    dispatch_scatter, combine_gather = _sc_kernels()
    xs = dispatch_scatter(xf, slot)

    w1 = w1_w.reshape(N_E, d, 2 * D_FF)
    b1 = w1_b.reshape(N_E, 1, 2 * D_FF)
    w2 = w2_w.reshape(N_E, D_FF, d)
    b2 = w2_b.reshape(N_E, 1, d)
    ys = _ffn_call(be, nb, xs, w1, b1, w2, b2)

    outf = combine_gather(ys, slot)
    return outf.reshape(b, s, d), aux2d.reshape(())

# --- scband reference (transcript-rebuilt; emitter-appended) ---
"""Pipeline reference for scband-cartesian-mo-e-49331994362125 (READ-ONLY COPY).

The authoritative reference and input builder live on the scoring server;
editing this copy changes nothing except your own understanding.
"""

import jax, jax.numpy as jnp
import numpy as np

D_MODEL = 768
D_FF = 1024
NA = 2
NB = 4


def setup_inputs(seed: int = 0) -> dict:
    key = jax.random.key(seed)
    ks = jax.random.split(key, 8)
    s_in = 1.0 / np.sqrt(D_MODEL)
    s_ff = 1.0 / np.sqrt(D_FF)
    return {
        "x": jax.random.normal(ks[0], (1, 2048, D_MODEL), dtype=jnp.float32),
        "gA_w": jax.random.normal(ks[1], (D_MODEL, NA), dtype=jnp.float32) * s_in,
        "gA_b": jnp.zeros((NA,), dtype=jnp.float32),
        "gB_w": jax.random.normal(ks[2], (D_MODEL, NB), dtype=jnp.float32) * s_in,
        "gB_b": jnp.zeros((NB,), dtype=jnp.float32),
        "w1_w": jax.random.normal(ks[3], (NA, NB, D_MODEL, 2 * D_FF), dtype=jnp.float32) * s_in,
        "w1_b": jnp.zeros((NA, NB, 2 * D_FF), dtype=jnp.float32),
        "w2_w": jax.random.normal(ks[4], (NA, NB, D_FF, D_MODEL), dtype=jnp.float32) * s_ff,
        "w2_b": jnp.zeros((NA, NB, D_MODEL), dtype=jnp.float32),
    }


def reference(x, gA_w, gA_b, gB_w, gB_b, w1_w, w1_b, w2_w, w2_b):
    b, s, d = x.shape
    x_flat = x.reshape(b * s, d)

    probs_A = jax.nn.softmax(x_flat @ gA_w + gA_b, axis=-1)
    probs_B = jax.nn.softmax(x_flat @ gB_w + gB_b, axis=-1)
    idx_A = jnp.argmax(probs_A, axis=-1)
    idx_B = jnp.argmax(probs_B, axis=-1)

    importance_A = probs_A.mean(axis=0)
    load_A = jax.nn.one_hot(idx_A, NA, dtype=jnp.float32).mean(axis=0)
    aux_A = NA * jnp.sum(importance_A * load_A)
    importance_B = probs_B.mean(axis=0)
    load_B = jax.nn.one_hot(idx_B, NB, dtype=jnp.float32).mean(axis=0)
    aux_B = NB * jnp.sum(importance_B * load_B)
    total_aux = aux_A + aux_B

    e_idx = idx_A * NB + idx_B
    w1w = w1_w.reshape(NA * NB, d, 2 * D_FF)
    w1b = w1_b.reshape(NA * NB, 2 * D_FF)
    w2w = w2_w.reshape(NA * NB, D_FF, d)
    w2b = w2_b.reshape(NA * NB, d)

    outputs = jnp.zeros_like(x_flat)
    for e in range(NA * NB):
        h = x_flat @ w1w[e] + w1b[e]
        a_, b_ = jnp.split(h, 2, axis=-1)
        y = (a_ * jax.nn.silu(b_)) @ w2w[e] + w2b[e]
        mask = (e_idx == e)[:, None]
        outputs = outputs + jnp.where(mask, y, 0.0)

    return outputs.reshape(b, s, d), total_aux

if __name__ == "__main__":
    import jax
    _d = setup_inputs()
    print(jax.jit(kernel)(*tuple(_d.values())))

</pallas_src>

<mosaic_0001>
#map = affine_map<(d0, d1) -> (0, 0)>
#map1 = affine_map<(d0, d1) -> (0)>
module attributes {stable_mosaic.version = 14 : i64} {
  func.func @dispatch_scatter(%arg0: i32, %arg1: i32, %arg2: memref<2048x768xf32, #tpu.memory_space<hbm>>, %arg3: memref<2048xi32, #tpu.memory_space<hbm>>, %arg4: memref<5632x768xf32, #tpu.memory_space<hbm>>, %arg5: memref<64xi32, #tpu.memory_space<vmem>>, %arg6: memref<64x768xf32, #tpu.memory_space<vmem>>, %arg7: memref<!tpu.dma_semaphore, #tpu.memory_space<semaphore_mem>>) attributes {dimension_semantics = [#tpu.dimension_semantics<core_parallel>, #tpu.dimension_semantics<subcore_parallel>], iteration_bounds = array<i64: 2, 16>, scalar_prefetch = 0 : i64, scratch_operands = 3 : i64, tpu.core_type = #tpu.core_type<sc_vector_subcore>, window_params = [{transform_indices = #map}, {transform_indices = #map1}, {transform_indices = #map}]} {
    %mul3A = arith.constant 2 : i32
    %mul3A_0 = arith.muli %arg1, %mul3A : i32
    %add3A = arith.addi %mul3A_0, %arg0 : i32
    %mul3A_1 = arith.constant 64 : i32
    %mul3A_2 = arith.muli %add3A, %mul3A_1 : i32
    "tpu.region"() ({
      %run_scoped3A = tpu.sem_alloc : memref<!tpu.dma_semaphore, #tpu.memory_space<semaphore_mem>>
      %dma_start3A_7 = tpu.memref_slice %arg3[%mul3A_2] : memref<2048xi32, #tpu.memory_space<hbm>> -> memref<64xi32, #tpu.memory_space<hbm>>
      %dma_start3A_8 = tpu.memref_slice %arg3[%mul3A_2] : memref<2048xi32, #tpu.memory_space<hbm>> -> memref<64xi32, #tpu.memory_space<hbm>>
      tpu.enqueue_dma source(%dma_start3A_8 : memref<64xi32, #tpu.memory_space<hbm>>) target(%arg5 : memref<64xi32, #tpu.memory_space<vmem>>) target_semaphore(%run_scoped3A : memref<!tpu.dma_semaphore, #tpu.memory_space<semaphore_mem>>)
      %dma_wait3A_9 = tpu.memref_slice %arg3[%mul3A_2] : memref<2048xi32, #tpu.memory_space<hbm>> -> memref<64xi32, #tpu.memory_space<hbm>>
      %dma_wait3A_10 = tpu.memref_slice %arg3[%mul3A_2] : memref<2048xi32, #tpu.memory_space<hbm>> -> memref<64xi32, #tpu.memory_space<hbm>>
      tpu.wait_dma2 semaphore(%run_scoped3A : memref<!tpu.dma_semaphore, #tpu.memory_space<semaphore_mem>>) src(%dma_wait3A_10 : memref<64xi32, #tpu.memory_space<hbm>>) dst(%arg5 : memref<64xi32, #tpu.memory_space<vmem>>)
      tpu.yield
    }) : () -> ()
    "tpu.region"() ({
      %run_scoped3A = tpu.sem_alloc : memref<!tpu.dma_semaphore, #tpu.memory_space<semaphore_mem>>
      %dma_start3A_7 = arith.constant 0 : i32
      %dma_start3A_8 = tpu.memref_slice %arg2[%mul3A_2, %dma_start3A_7] : memref<2048x768xf32, #tpu.memory_space<hbm>> -> memref<64x768xf32, #tpu.memory_space<hbm>>
      %dma_start3A_9 = arith.constant 0 : i32
      %dma_start3A_10 = tpu.memref_slice %arg2[%mul3A_2, %dma_start3A_9] : memref<2048x768xf32, #tpu.memory_space<hbm>> -> memref<64x768xf32, #tpu.memory_space<hbm>>
      tpu.enqueue_dma source(%dma_start3A_10 : memref<64x768xf32, #tpu.memory_space<hbm>>) target(%arg6 : memref<64x768xf32, #tpu.memory_space<vmem>>) target_semaphore(%run_scoped3A : memref<!tpu.dma_semaphore, #tpu.memory_space<semaphore_mem>>)
      %dma_wait3A_11 = arith.constant 0 : i32
      %dma_wait3A_12 = tpu.memref_slice %arg2[%mul3A_2, %dma_wait3A_11] : memref<2048x768xf32, #tpu.memory_space<hbm>> -> memref<64x768xf32, #tpu.memory_space<hbm>>
      %dma_wait3A_13 = arith.constant 0 : i32
      %dma_wait3A_14 = tpu.memref_slice %arg2[%mul3A_2, %dma_wait3A_13] : memref<2048x768xf32, #tpu.memory_space<hbm>> -> memref<64x768xf32, #tpu.memory_space<hbm>>
      tpu.wait_dma2 semaphore(%run_scoped3A : memref<!tpu.dma_semaphore, #tpu.memory_space<semaphore_mem>>) src(%dma_wait3A_14 : memref<64x768xf32, #tpu.memory_space<hbm>>) dst(%arg6 : memref<64x768xf32, #tpu.memory_space<vmem>>)
      tpu.yield
    }) : () -> ()
    %dma_start3A = arith.constant 0 : i32
    %dma_start3A_3 = arith.constant 0 : i32
    %dma_start3A_4 = tpu.memref_slice %arg4[%dma_start3A, %dma_start3A_3] : memref<5632x768xf32, #tpu.memory_space<hbm>> -> memref<5632x768xf32, #tpu.memory_space<hbm>>
    tpu.enqueue_indirect_dma source(%arg6 : memref<64x768xf32, #tpu.memory_space<vmem>>) target(%dma_start3A_4 : memref<5632x768xf32, #tpu.memory_space<hbm>>) offsets(%arg5 : memref<64xi32, #tpu.memory_space<vmem>>) semaphore(%arg7 : memref<!tpu.dma_semaphore, #tpu.memory_space<semaphore_mem>>)
    %dma_wait3A = arith.constant 0 : i32
    %dma_wait3A_5 = arith.constant 0 : i32
    %dma_wait3A_6 = tpu.memref_slice %arg4[%dma_wait3A, %dma_wait3A_5] : memref<5632x768xf32, #tpu.memory_space<hbm>> -> memref<5632x768xf32, #tpu.memory_space<hbm>>
    tpu.wait_indirect_dma semaphore(%arg7 : memref<!tpu.dma_semaphore, #tpu.memory_space<semaphore_mem>>) src(%arg6 : memref<64x768xf32, #tpu.memory_space<vmem>>) dst(%dma_wait3A_6 : memref<5632x768xf32, #tpu.memory_space<hbm>>)
    return
  }
}

#map = affine_map<(d0, d1) -> (0, 0)>
#map1 = affine_map<(d0, d1) -> (0)>
module attributes {stable_mosaic.version = 14 : i64} {
  func.func @combine_gather(%arg0: i32, %arg1: i32, %arg2: memref<5632x768xf32, #tpu.memory_space<hbm>>, %arg3: memref<2048xi32, #tpu.memory_space<hbm>>, %arg4: memref<2048x768xf32, #tpu.memory_space<hbm>>, %arg5: memref<64xi32, #tpu.memory_space<vmem>>, %arg6: memref<64x768xf32, #tpu.memory_space<vmem>>, %arg7: memref<!tpu.dma_semaphore, #tpu.memory_space<semaphore_mem>>) attributes {dimension_semantics = [#tpu.dimension_semantics<core_parallel>, #tpu.dimension_semantics<subcore_parallel>], iteration_bounds = array<i64: 2, 16>, scalar_prefetch = 0 : i64, scratch_operands = 3 : i64, tpu.core_type = #tpu.core_type<sc_vector_subcore>, window_params = [{transform_indices = #map}, {transform_indices = #map1}, {transform_indices = #map}]} {
    %mul3A = arith.constant 2 : i32
    %mul3A_0 = arith.muli %arg1, %mul3A : i32
    %add3A = arith.addi %mul3A_0, %arg0 : i32
    %mul3A_1 = arith.constant 64 : i32
    %mul3A_2 = arith.muli %add3A, %mul3A_1 : i32
    "tpu.region"() ({
      %run_scoped3A = tpu.sem_alloc : memref<!tpu.dma_semaphore, #tpu.memory_space<semaphore_mem>>
      %dma_start3A_7 = tpu.memref_slice %arg3[%mul3A_2] : memref<2048xi32, #tpu.memory_space<hbm>> -> memref<64xi32, #tpu.memory_space<hbm>>
      %dma_start3A_8 = tpu.memref_slice %arg3[%mul3A_2] : memref<2048xi32, #tpu.memory_space<hbm>> -> memref<64xi32, #tpu.memory_space<hbm>>
      tpu.enqueue_dma source(%dma_start3A_8 : memref<64xi32, #tpu.memory_space<hbm>>) target(%arg5 : memref<64xi32, #tpu.memory_space<vmem>>) target_semaphore(%run_scoped3A : memref<!tpu.dma_semaphore, #tpu.memory_space<semaphore_mem>>)
      %dma_wait3A_9 = tpu.memref_slice %arg3[%mul3A_2] : memref<2048xi32, #tpu.memory_space<hbm>> -> memref<64xi32, #tpu.memory_space<hbm>>
      %dma_wait3A_10 = tpu.memref_slice %arg3[%mul3A_2] : memref<2048xi32, #tpu.memory_space<hbm>> -> memref<64xi32, #tpu.memory_space<hbm>>
      tpu.wait_dma2 semaphore(%run_scoped3A : memref<!tpu.dma_semaphore, #tpu.memory_space<semaphore_mem>>) src(%dma_wait3A_10 : memref<64xi32, #tpu.memory_space<hbm>>) dst(%arg5 : memref<64xi32, #tpu.memory_space<vmem>>)
      tpu.yield
    }) : () -> ()
    %dma_start3A = arith.constant 0 : i32
    %dma_start3A_3 = arith.constant 0 : i32
    %dma_start3A_4 = tpu.memref_slice %arg2[%dma_start3A, %dma_start3A_3] : memref<5632x768xf32, #tpu.memory_space<hbm>> -> memref<5632x768xf32, #tpu.memory_space<hbm>>
    tpu.enqueue_indirect_dma source(%dma_start3A_4 : memref<5632x768xf32, #tpu.memory_space<hbm>>) target(%arg6 : memref<64x768xf32, #tpu.memory_space<vmem>>) offsets(%arg5 : memref<64xi32, #tpu.memory_space<vmem>>) semaphore(%arg7 : memref<!tpu.dma_semaphore, #tpu.memory_space<semaphore_mem>>)
    %dma_wait3A = arith.constant 0 : i32
    %dma_wait3A_5 = arith.constant 0 : i32
    %dma_wait3A_6 = tpu.memref_slice %arg2[%dma_wait3A, %dma_wait3A_5] : memref<5632x768xf32, #tpu.memory_space<hbm>> -> memref<5632x768xf32, #tpu.memory_space<hbm>>
    tpu.wait_indirect_dma semaphore(%arg7 : memref<!tpu.dma_semaphore, #tpu.memory_space<semaphore_mem>>) src(%dma_wait3A_6 : memref<5632x768xf32, #tpu.memory_space<hbm>>) dst(%arg6 : memref<64x768xf32, #tpu.memory_space<vmem>>)
    "tpu.region"() ({
      %run_scoped3A = tpu.sem_alloc : memref<!tpu.dma_semaphore, #tpu.memory_space<semaphore_mem>>
      %dma_start3A_7 = arith.constant 0 : i32
      %dma_start3A_8 = tpu.memref_slice %arg4[%mul3A_2, %dma_start3A_7] : memref<2048x768xf32, #tpu.memory_space<hbm>> -> memref<64x768xf32, #tpu.memory_space<hbm>>
      %dma_start3A_9 = arith.constant 0 : i32
      %dma_start3A_10 = tpu.memref_slice %arg4[%mul3A_2, %dma_start3A_9] : memref<2048x768xf32, #tpu.memory_space<hbm>> -> memref<64x768xf32, #tpu.memory_space<hbm>>
      tpu.enqueue_dma source(%arg6 : memref<64x768xf32, #tpu.memory_space<vmem>>) target(%dma_start3A_10 : memref<64x768xf32, #tpu.memory_space<hbm>>) target_semaphore(%run_scoped3A : memref<!tpu.dma_semaphore, #tpu.memory_space<semaphore_mem>>)
      %dma_wait3A_11 = arith.constant 0 : i32
      %dma_wait3A_12 = tpu.memref_slice %arg4[%mul3A_2, %dma_wait3A_11] : memref<2048x768xf32, #tpu.memory_space<hbm>> -> memref<64x768xf32, #tpu.memory_space<hbm>>
      %dma_wait3A_13 = arith.constant 0 : i32
      %dma_wait3A_14 = tpu.memref_slice %arg4[%mul3A_2, %dma_wait3A_13] : memref<2048x768xf32, #tpu.memory_space<hbm>> -> memref<64x768xf32, #tpu.memory_space<hbm>>
      tpu.wait_dma2 semaphore(%run_scoped3A : memref<!tpu.dma_semaphore, #tpu.memory_space<semaphore_mem>>) src(%arg6 : memref<64x768xf32, #tpu.memory_space<vmem>>) dst(%dma_wait3A_14 : memref<64x768xf32, #tpu.memory_space<hbm>>)
      tpu.yield
    }) : () -> ()
    return
  }
}

module attributes {stable_mosaic.version = 14 : i64} {
  func.func @_ffn_body(%arg0: i32, %arg1: memref<11xi32, #tpu.memory_space<smem>>, %arg2: memref<1xi32, #tpu.memory_space<smem>>, %arg3: memref<512x768xf32, #tpu.memory_space<vmem>>, %arg4: memref<1x768x2048xf32, #tpu.memory_space<vmem>>, %arg5: memref<1x1x2048xf32, #tpu.memory_space<vmem>>, %arg6: memref<1x1024x768xf32, #tpu.memory_space<vmem>>, %arg7: memref<1x1x768xf32, #tpu.memory_space<vmem>>, %arg8: memref<512x768xf32, #tpu.memory_space<vmem>>) attributes {dimension_semantics = [#tpu.dimension_semantics<arbitrary>], iteration_bounds = array<i64: 11>, scalar_prefetch = 2 : i64, scratch_operands = 0 : i64, tpu.core_type = #tpu.core_type<tc>, window_params = [{transform_indices = @transform_0, window_bounds = array<i64: 512, 768>}, {transform_indices = @transform_1, window_bounds = array<i64: 1, 768, 2048>}, {transform_indices = @transform_2, window_bounds = array<i64: 1, 1, 2048>}, {transform_indices = @transform_3, window_bounds = array<i64: 1, 1024, 768>}, {transform_indices = @transform_4, window_bounds = array<i64: 1, 1, 768>}, {transform_indices = @transform_5, window_bounds = array<i64: 512, 768>}]} {
    %get3A = arith.constant 0 : index
    %get3A_0 = memref.load %arg2[%get3A] : memref<1xi32, #tpu.memory_space<smem>>
    %lt3A = arith.cmpi slt, %arg0, %get3A_0 : i32
    %convert_element_type3A = arith.extui %lt3A : i1 to i32
    %cond3A = arith.constant 0 : i32
    %cond3A_1 = arith.cmpi ne, %convert_element_type3A, %cond3A : i32
    scf.if %cond3A_1 {
      %get3A_2 = arith.constant 0 : index
      %get3A_3 = arith.constant 0 : index
      %get3A_4 = vector.load %arg3[%get3A_2, %get3A_3] : memref<512x768xf32, #tpu.memory_space<vmem>>, vector<512x768xf32>
      %get3A_5 = arith.constant 0 : index
      %get3A_6 = arith.constant 0 : index
      %get3A_7 = arith.constant 0 : index
      %get3A_8 = vector.load %arg4[%get3A_5, %get3A_6, %get3A_7] : memref<1x768x2048xf32, #tpu.memory_space<vmem>>, vector<1x768x2048xf32>
      %get3A_9 = vector.shape_cast %get3A_8 : vector<1x768x2048xf32> to vector<768x2048xf32>
      %dot_general3A = arith.constant dense<0.000000e+00> : vector<512x2048xf32>
      %dot_general3A_10 = tpu.matmul %get3A_4, %get3A_9, %dot_general3A {dimension_numbers = #tpu.dot_dimension_numbers<[1], [0], [0], [1], [0, 0, 1, 1], [], []>, transpose_lhs_hint = false} : vector<512x768xf32>, vector<768x2048xf32>, vector<512x2048xf32> -> vector<512x2048xf32>
      %get3A_11 = arith.constant 0 : index
      %get3A_12 = arith.constant 0 : index
      %get3A_13 = arith.constant 0 : index
      %get3A_14 = vector.load %arg5[%get3A_11, %get3A_12, %get3A_13] : memref<1x1x2048xf32, #tpu.memory_space<vmem>>, vector<1x1x2048xf32>
      %get3A_15 = vector.shape_cast %get3A_14 : vector<1x1x2048xf32> to vector<1x2048xf32>
      %add3A = vector.broadcast %get3A_15 : vector<1x2048xf32> to vector<512x2048xf32>
      %add3A_16 = arith.addf %dot_general3A_10, %add3A : vector<512x2048xf32>
      %slice3A = vector.extract_strided_slice %add3A_16 {offsets = [0, 0], sizes = [512, 1024], strides = [1, 1]} : vector<512x2048xf32> to vector<512x1024xf32>
      %slice3A_17 = vector.extract_strided_slice %add3A_16 {offsets = [0, 1024], sizes = [512, 1024], strides = [1, 1]} : vector<512x2048xf32> to vector<512x1024xf32>
      %logistic3A = arith.negf %slice3A_17 : vector<512x1024xf32>
      %logistic3A_18 = math.exp %logistic3A : vector<512x1024xf32>
      %logistic3A_19 = arith.constant 1.000000e+00 : f32
      %logistic3A_20 = vector.broadcast %logistic3A_19 : f32 to vector<512x1024xf32>
      %logistic3A_21 = arith.addf %logistic3A_20, %logistic3A_18 : vector<512x1024xf32>
      %logistic3A_22 = arith.divf %logistic3A_20, %logistic3A_21 : vector<512x1024xf32>
      %mul3A = arith.mulf %slice3A_17, %logistic3A_22 : vector<512x1024xf32>
      %mul3A_23 = arith.mulf %slice3A, %mul3A : vector<512x1024xf32>
      %get3A_24 = arith.constant 0 : index
      %get3A_25 = arith.constant 0 : index
      %get3A_26 = arith.constant 0 : index
      %get3A_27 = vector.load %arg6[%get3A_24, %get3A_25, %get3A_26] : memref<1x1024x768xf32, #tpu.memory_space<vmem>>, vector<1x1024x768xf32>
      %get3A_28 = vector.shape_cast %get3A_27 : vector<1x1024x768xf32> to vector<1024x768xf32>
      %dot_general3A_29 = arith.constant dense<0.000000e+00> : vector<512x768xf32>
      %dot_general3A_30 = tpu.matmul %mul3A_23, %get3A_28, %dot_general3A_29 {dimension_numbers = #tpu.dot_dimension_numbers<[1], [0], [0], [1], [0, 0, 1, 1], [], []>, transpose_lhs_hint = false} : vector<512x1024xf32>, vector<1024x768xf32>, vector<512x768xf32> -> vector<512x768xf32>
      %get3A_31 = arith.constant 0 : index
      %get3A_32 = arith.constant 0 : index
      %get3A_33 = arith.constant 0 : index
      %get3A_34 = vector.load %arg7[%get3A_31, %get3A_32, %get3A_33] : memref<1x1x768xf32, #tpu.memory_space<vmem>>, vector<1x1x768xf32>
      %get3A_35 = vector.shape_cast %get3A_34 : vector<1x1x768xf32> to vector<1x768xf32>
      %add3A_36 = vector.broadcast %get3A_35 : vector<1x768xf32> to vector<512x768xf32>
      %add3A_37 = arith.addf %dot_general3A_30, %add3A_36 : vector<512x768xf32>
      %swap3A = arith.constant 0 : index
      %swap3A_38 = arith.constant 0 : index
      %swap3A_39 = vector.load %arg8[%swap3A, %swap3A_38] : memref<512x768xf32, #tpu.memory_space<vmem>>, vector<512x768xf32>
      tpu.vector_store %arg8[%swap3A, %swap3A_38], %add3A_37 {strides = array<i32>} : memref<512x768xf32, #tpu.memory_space<vmem>>, vector<512x768xf32>,
    } else {
    }
    return
  }
  func.func @transform_0(%arg0: i32, %arg1: memref<11xi32, #tpu.memory_space<smem>>, %arg2: memref<1xi32, #tpu.memory_space<smem>>) -> (i32, i32) {
    %get3A = arith.constant 0 : index
    %get3A_0 = memref.load %arg2[%get3A] : memref<1xi32, #tpu.memory_space<smem>>
    %sub3A = arith.constant 1 : i32
    %sub3A_1 = arith.subi %get3A_0, %sub3A : i32
    %min3A = arith.minsi %arg0, %sub3A_1 : i32
    %c0_i32 = arith.constant 0 : i32
    %c0_i32_2 = arith.constant 0 : i32
    return %min3A, %c0_i32 : i32, i32
  }
  func.func @transform_1(%arg0: i32, %arg1: memref<11xi32, #tpu.memory_space<smem>>, %arg2: memref<1xi32, #tpu.memory_space<smem>>) -> (i32, i32, i32) {
    %get3A = arith.index_cast %arg0 : i32 to index
    %get3A_0 = memref.load %arg1[%get3A] : memref<11xi32, #tpu.memory_space<smem>>
    %c0_i32 = arith.constant 0 : i32
    %c0_i32_1 = arith.constant 0 : i32
    %c0_i32_2 = arith.constant 0 : i32
    return %get3A_0, %c0_i32, %c0_i32_1 : i32, i32, i32
  }
  func.func @transform_2(%arg0: i32, %arg1: memref<11xi32, #tpu.memory_space<smem>>, %arg2: memref<1xi32, #tpu.memory_space<smem>>) -> (i32, i32, i32) {
    %get3A = arith.index_cast %arg0 : i32 to index
    %get3A_0 = memref.load %arg1[%get3A] : memref<11xi32, #tpu.memory_space<smem>>
    %c0_i32 = arith.constant 0 : i32
    %c0_i32_1 = arith.constant 0 : i32
    %c0_i32_2 = arith.constant 0 : i32
    return %get3A_0, %c0_i32, %c0_i32_1 : i32, i32, i32
  }
  func.func @transform_3(%arg0: i32, %arg1: memref<11xi32, #tpu.memory_space<smem>>, %arg2: memref<1xi32, #tpu.memory_space<smem>>) -> (i32, i32, i32) {
    %get3A = arith.index_cast %arg0 : i32 to index
    %get3A_0 = memref.load %arg1[%get3A] : memref<11xi32, #tpu.memory_space<smem>>
    %c0_i32 = arith.constant 0 : i32
    %c0_i32_1 = arith.constant 0 : i32
    %c0_i32_2 = arith.constant 0 : i32
    return %get3A_0, %c0_i32, %c0_i32_1 : i32, i32, i32
  }
  func.func @transform_4(%arg0: i32, %arg1: memref<11xi32, #tpu.memory_space<smem>>, %arg2: memref<1xi32, #tpu.memory_space<smem>>) -> (i32, i32, i32) {
    %get3A = arith.index_cast %arg0 : i32 to index
    %get3A_0 = memref.load %arg1[%get3A] : memref<11xi32, #tpu.memory_space<smem>>
    %c0_i32 = arith.constant 0 : i32
    %c0_i32_1 = arith.constant 0 : i32
    %c0_i32_2 = arith.constant 0 : i32
    return %get3A_0, %c0_i32, %c0_i32_1 : i32, i32, i32
  }
  func.func @transform_5(%arg0: i32, %arg1: memref<11xi32, #tpu.memory_space<smem>>, %arg2: memref<1xi32, #tpu.memory_space<smem>>) -> (i32, i32) {
    %get3A = arith.constant 0 : index
    %get3A_0 = memref.load %arg2[%get3A] : memref<1xi32, #tpu.memory_space<smem>>
    %sub3A = arith.constant 1 : i32
    %sub3A_1 = arith.subi %get3A_0, %sub3A : i32
    %min3A = arith.minsi %arg0, %sub3A_1 : i32
    %c0_i32 = arith.constant 0 : i32
    %c0_i32_2 = arith.constant 0 : i32
    return %min3A, %c0_i32 : i32, i32
  }
}

module attributes {stable_mosaic.version = 14 : i64} {
  func.func @_gating_body(%arg0: memref<2048x768xf32, #tpu.memory_space<vmem>>, %arg1: memref<2x768xf32, #tpu.memory_space<vmem>>, %arg2: memref<1x2xf32, #tpu.memory_space<vmem>>, %arg3: memref<4x768xf32, #tpu.memory_space<vmem>>, %arg4: memref<1x4xf32, #tpu.memory_space<vmem>>, %arg5: memref<16x128xi32, #tpu.memory_space<vmem>>, %arg6: memref<1x11xi32, #tpu.memory_space<vmem>>, %arg7: memref<1x1xi32, #tpu.memory_space<vmem>>, %arg8: memref<1x1xf32, #tpu.memory_space<vmem>>) attributes {dimension_semantics = [], scalar_prefetch = 0 : i64, scratch_operands = 0 : i64, tpu.core_type = #tpu.core_type<tc>} {
    %get3A = arith.constant 0 : index
    %get3A_0 = arith.constant 0 : index
    %get3A_1 = vector.load %arg0[%get3A, %get3A_0] : memref<2048x768xf32, #tpu.memory_space<vmem>>, vector<2048x768xf32>
    %get3A_2 = arith.constant 0 : index
    %get3A_3 = arith.constant 0 : index
    %get3A_4 = vector.load %arg1[%get3A_2, %get3A_3] : memref<2x768xf32, #tpu.memory_space<vmem>>, vector<2x768xf32>
    %dot_general3A = arith.constant dense<0.000000e+00> : vector<2048x2xf32>
    %dot_general3A_5 = tpu.matmul %get3A_1, %get3A_4, %dot_general3A {dimension_numbers = #tpu.dot_dimension_numbers<[1], [1], [0], [0], [0, 0, 1, 0], [], []>, transpose_lhs_hint = false} : vector<2048x768xf32>, vector<2x768xf32>, vector<2048x2xf32> -> vector<2048x2xf32>
    %get3A_6 = arith.constant 0 : index
    %get3A_7 = arith.constant 0 : index
    %get3A_8 = vector.load %arg2[%get3A_6, %get3A_7] : memref<1x2xf32, #tpu.memory_space<vmem>>, vector<1x2xf32>
    %add3A = vector.broadcast %get3A_8 : vector<1x2xf32> to vector<2048x2xf32>
    %add3A_9 = arith.addf %dot_general3A_5, %add3A : vector<2048x2xf32>
    %get3A_10 = arith.constant 0 : index
    %get3A_11 = arith.constant 0 : index
    %get3A_12 = vector.load %arg3[%get3A_10, %get3A_11] : memref<4x768xf32, #tpu.memory_space<vmem>>, vector<4x768xf32>
    %dot_general3A_13 = arith.constant dense<0.000000e+00> : vector<2048x4xf32>
    %dot_general3A_14 = tpu.matmul %get3A_1, %get3A_12, %dot_general3A_13 {dimension_numbers = #tpu.dot_dimension_numbers<[1], [1], [0], [0], [0, 0, 1, 0], [], []>, transpose_lhs_hint = false} : vector<2048x768xf32>, vector<4x768xf32>, vector<2048x4xf32> -> vector<2048x4xf32>
    %get3A_15 = arith.constant 0 : index
    %get3A_16 = arith.constant 0 : index
    %get3A_17 = vector.load %arg4[%get3A_15, %get3A_16] : memref<1x4xf32, #tpu.memory_space<vmem>>, vector<1x4xf32>
    %add3A_18 = vector.broadcast %get3A_17 : vector<1x4xf32> to vector<2048x4xf32>
    %add3A_19 = arith.addf %dot_general3A_14, %add3A_18 : vector<2048x4xf32>
    %reduce_max3A = arith.constant dense<0xFF800000> : vector<2048xf32>
    %reduce_max3A_20 = vector.multi_reduction <maximumf>, %add3A_9, %reduce_max3A [1] : vector<2048x2xf32> to vector<2048xf32>
    %max3A = arith.constant 0xFF800000 : f32
    %max3A_21 = vector.broadcast %max3A : f32 to vector<2048xf32>
    %max3A_22 = arith.maximumf %max3A_21, %reduce_max3A_20 : vector<2048xf32>
    %broadcast_in_dim3A = vector.shape_cast %max3A_22 : vector<2048xf32> to vector<2048x1xf32>
    %sub3A = vector.broadcast %broadcast_in_dim3A : vector<2048x1xf32> to vector<2048x2xf32>
    %sub3A_23 = arith.subf %add3A_9, %sub3A : vector<2048x2xf32>
    %exp3A = math.exp %sub3A_23 : vector<2048x2xf32>
    %reduce_sum3A = arith.constant dense<0.000000e+00> : vector<2048xf32>
    %reduce_sum3A_24 = vector.multi_reduction <add>, %exp3A, %reduce_sum3A [1] : vector<2048x2xf32> to vector<2048xf32>
    %broadcast_in_dim3A_25 = vector.shape_cast %reduce_sum3A_24 : vector<2048xf32> to vector<2048x1xf32>
    %div3A = vector.broadcast %broadcast_in_dim3A_25 : vector<2048x1xf32> to vector<2048x2xf32>
    %div3A_26 = arith.divf %exp3A, %div3A : vector<2048x2xf32>
    %reduce_max3A_27 = arith.constant dense<0xFF800000> : vector<2048xf32>
    %reduce_max3A_28 = vector.multi_reduction <maximumf>, %add3A_19, %reduce_max3A_27 [1] : vector<2048x4xf32> to vector<2048xf32>
    %max3A_29 = arith.constant 0xFF800000 : f32
    %max3A_30 = vector.broadcast %max3A_29 : f32 to vector<2048xf32>
    %max3A_31 = arith.maximumf %max3A_30, %reduce_max3A_28 : vector<2048xf32>
    %broadcast_in_dim3A_32 = vector.shape_cast %max3A_31 : vector<2048xf32> to vector<2048x1xf32>
    %sub3A_33 = vector.broadcast %broadcast_in_dim3A_32 : vector<2048x1xf32> to vector<2048x4xf32>
    %sub3A_34 = arith.subf %add3A_19, %sub3A_33 : vector<2048x4xf32>
    %exp3A_35 = math.exp %sub3A_34 : vector<2048x4xf32>
    %reduce_sum3A_36 = arith.constant dense<0.000000e+00> : vector<2048xf32>
    %reduce_sum3A_37 = vector.multi_reduction <add>, %exp3A_35, %reduce_sum3A_36 [1] : vector<2048x4xf32> to vector<2048xf32>
    %broadcast_in_dim3A_38 = vector.shape_cast %reduce_sum3A_37 : vector<2048xf32> to vector<2048x1xf32>
    %div3A_39 = vector.broadcast %broadcast_in_dim3A_38 : vector<2048x1xf32> to vector<2048x4xf32>
    %div3A_40 = arith.divf %exp3A_35, %div3A_39 : vector<2048x4xf32>
    %reduce_max3A_41 = arith.constant dense<0xFF800000> : vector<2048xf32>
    %reduce_max3A_42 = vector.multi_reduction <maximumf>, %div3A_26, %reduce_max3A_41 [1] : vector<2048x2xf32> to vector<2048xf32>
    %broadcast_in_dim3A_43 = vector.shape_cast %reduce_max3A_42 : vector<2048xf32> to vector<2048x1xf32>
    %iota3A = tpu.iota {dimensions = array<i32: 1>} : vector<2048x2xi32>
    %convert_element_type3A = arith.sitofp %iota3A : vector<2048x2xi32> to vector<2048x2xf32>
    %eq3A = vector.broadcast %broadcast_in_dim3A_43 : vector<2048x1xf32> to vector<2048x2xf32>
    %eq3A_44 = arith.cmpf oeq, %div3A_26, %eq3A : vector<2048x2xf32>
    %jit3A = arith.constant 2.000000e+00 : f32
    %broadcast_in_dim3A_45 = vector.broadcast %jit3A : f32 to vector<2048x2xf32>
    %select_n3A = arith.select %eq3A_44, %convert_element_type3A, %broadcast_in_dim3A_45 : vector<2048x2xi1>, vector<2048x2xf32>
    %reduce_min3A = arith.constant dense<0x7F800000> : vector<2048xf32>
    %reduce_min3A_46 = vector.multi_reduction <minimumf>, %select_n3A, %reduce_min3A [1] : vector<2048x2xf32> to vector<2048xf32>
    %broadcast_in_dim3A_47 = vector.shape_cast %reduce_min3A_46 : vector<2048xf32> to vector<2048x1xf32>
    %reduce_max3A_48 = arith.constant dense<0xFF800000> : vector<2048xf32>
    %reduce_max3A_49 = vector.multi_reduction <maximumf>, %div3A_40, %reduce_max3A_48 [1] : vector<2048x4xf32> to vector<2048xf32>
    %broadcast_in_dim3A_50 = vector.shape_cast %reduce_max3A_49 : vector<2048xf32> to vector<2048x1xf32>
    %iota3A_51 = tpu.iota {dimensions = array<i32: 1>} : vector<2048x4xi32>
    %convert_element_type3A_52 = arith.sitofp %iota3A_51 : vector<2048x4xi32> to vector<2048x4xf32>
    %eq3A_53 = vector.broadcast %broadcast_in_dim3A_50 : vector<2048x1xf32> to vector<2048x4xf32>
    %eq3A_54 = arith.cmpf oeq, %div3A_40, %eq3A_53 : vector<2048x4xf32>
    %jit3A_55 = arith.constant 4.000000e+00 : f32
    %broadcast_in_dim3A_56 = vector.broadcast %jit3A_55 : f32 to vector<2048x4xf32>
    %select_n3A_57 = arith.select %eq3A_54, %convert_element_type3A_52, %broadcast_in_dim3A_56 : vector<2048x4xi1>, vector<2048x4xf32>
    %reduce_min3A_58 = arith.constant dense<0x7F800000> : vector<2048xf32>
    %reduce_min3A_59 = vector.multi_reduction <minimumf>, %select_n3A_57, %reduce_min3A_58 [1] : vector<2048x4xf32> to vector<2048xf32>
    %broadcast_in_dim3A_60 = vector.shape_cast %reduce_min3A_59 : vector<2048xf32> to vector<2048x1xf32>
    %mul3A = arith.constant 4.000000e+00 : f32
    %mul3A_61 = vector.broadcast %mul3A : f32 to vector<2048x1xf32>
    %mul3A_62 = arith.mulf %broadcast_in_dim3A_47, %mul3A_61 : vector<2048x1xf32>
    %add3A_63 = arith.addf %mul3A_62, %broadcast_in_dim3A_60 : vector<2048x1xf32>
    %iota3A_64 = tpu.iota {dimensions = array<i32: 1>} : vector<2048x8xi32>
    %convert_element_type3A_65 = arith.sitofp %iota3A_64 : vector<2048x8xi32> to vector<2048x8xf32>
    %eq3A_66 = vector.broadcast %add3A_63 : vector<2048x1xf32> to vector<2048x8xf32>
    %eq3A_67 = arith.cmpf oeq, %convert_element_type3A_65, %eq3A_66 : vector<2048x8xf32>
    %convert_element_type3A_68 = arith.extui %eq3A_67 : vector<2048x8xi1> to vector<2048x8xi32>
    %convert_element_type3A_69 = arith.sitofp %convert_element_type3A_68 : vector<2048x8xi32> to vector<2048x8xf32>
    %iota3A_70 = tpu.iota {dimensions = array<i32: 1>} : vector<2048x2xi32>
    %convert_element_type3A_71 = arith.sitofp %iota3A_70 : vector<2048x2xi32> to vector<2048x2xf32>
    %iota3A_72 = tpu.iota {dimensions = array<i32: 1>} : vector<2048x4xi32>
    %convert_element_type3A_73 = arith.sitofp %iota3A_72 : vector<2048x4xi32> to vector<2048x4xf32>
    %eq3A_74 = vector.broadcast %broadcast_in_dim3A_47 : vector<2048x1xf32> to vector<2048x2xf32>
    %eq3A_75 = arith.cmpf oeq, %convert_element_type3A_71, %eq3A_74 : vector<2048x2xf32>
    %convert_element_type3A_76 = arith.extui %eq3A_75 : vector<2048x2xi1> to vector<2048x2xi32>
    %convert_element_type3A_77 = arith.sitofp %convert_element_type3A_76 : vector<2048x2xi32> to vector<2048x2xf32>
    %eq3A_78 = vector.broadcast %broadcast_in_dim3A_60 : vector<2048x1xf32> to vector<2048x4xf32>
    %eq3A_79 = arith.cmpf oeq, %convert_element_type3A_73, %eq3A_78 : vector<2048x4xf32>
    %convert_element_type3A_80 = arith.extui %eq3A_79 : vector<2048x4xi1> to vector<2048x4xi32>
    %convert_element_type3A_81 = arith.sitofp %convert_element_type3A_80 : vector<2048x4xi32> to vector<2048x4xf32>
    %reduce_sum3A_82 = arith.constant dense<0.000000e+00> : vector<2xf32>
    %reduce_sum3A_83 = vector.multi_reduction <add>, %div3A_26, %reduce_sum3A_82 [0] : vector<2048x2xf32> to vector<2xf32>
    %broadcast_in_dim3A_84 = vector.shape_cast %reduce_sum3A_83 : vector<2xf32> to vector<1x2xf32>
    %div3A_85 = arith.constant 2.048000e+03 : f32
    %div3A_86 = vector.broadcast %div3A_85 : f32 to vector<1x2xf32>
    %div3A_87 = arith.divf %broadcast_in_dim3A_84, %div3A_86 : vector<1x2xf32>
    %reduce_sum3A_88 = arith.constant dense<0.000000e+00> : vector<2xf32>
    %reduce_sum3A_89 = vector.multi_reduction <add>, %convert_element_type3A_77, %reduce_sum3A_88 [0] : vector<2048x2xf32> to vector<2xf32>
    %broadcast_in_dim3A_90 = vector.shape_cast %reduce_sum3A_89 : vector<2xf32> to vector<1x2xf32>
    %div3A_91 = arith.constant 2.048000e+03 : f32
    %div3A_92 = vector.broadcast %div3A_91 : f32 to vector<1x2xf32>
    %div3A_93 = arith.divf %broadcast_in_dim3A_90, %div3A_92 : vector<1x2xf32>
    %mul3A_94 = arith.mulf %div3A_87, %div3A_93 : vector<1x2xf32>
    %reduce_sum3A_95 = vector.shape_cast %mul3A_94 : vector<1x2xf32> to vector<1x1x2xf32>
    %reduce_sum3A_96 = arith.constant dense<0.000000e+00> : vector<1xf32>
    %reduce_sum3A_97 = vector.multi_reduction <add>, %reduce_sum3A_95, %reduce_sum3A_96 [1, 2] : vector<1x1x2xf32> to vector<1xf32>
    %reduce_sum3A_98 = vector.shape_cast %reduce_sum3A_97 : vector<1xf32> to vector<1x1x1xf32>
    %reduce_sum3A_99 = vector.extract %reduce_sum3A_98[0, 0, 0] : f32 from vector<1x1x1xf32>
    %mul3A_100 = arith.constant 2.000000e+00 : f32
    %mul3A_101 = arith.mulf %mul3A_100, %reduce_sum3A_99 : f32
    %reduce_sum3A_102 = arith.constant dense<0.000000e+00> : vector<4xf32>
    %reduce_sum3A_103 = vector.multi_reduction <add>, %div3A_40, %reduce_sum3A_102 [0] : vector<2048x4xf32> to vector<4xf32>
    %broadcast_in_dim3A_104 = vector.shape_cast %reduce_sum3A_103 : vector<4xf32> to vector<1x4xf32>
    %div3A_105 = arith.constant 2.048000e+03 : f32
    %div3A_106 = vector.broadcast %div3A_105 : f32 to vector<1x4xf32>
    %div3A_107 = arith.divf %broadcast_in_dim3A_104, %div3A_106 : vector<1x4xf32>
    %reduce_sum3A_108 = arith.constant dense<0.000000e+00> : vector<4xf32>
    %reduce_sum3A_109 = vector.multi_reduction <add>, %convert_element_type3A_81, %reduce_sum3A_108 [0] : vector<2048x4xf32> to vector<4xf32>
    %broadcast_in_dim3A_110 = vector.shape_cast %reduce_sum3A_109 : vector<4xf32> to vector<1x4xf32>
    %div3A_111 = arith.constant 2.048000e+03 : f32
    %div3A_112 = vector.broadcast %div3A_111 : f32 to vector<1x4xf32>
    %div3A_113 = arith.divf %broadcast_in_dim3A_110, %div3A_112 : vector<1x4xf32>
    %mul3A_114 = arith.mulf %div3A_107, %div3A_113 : vector<1x4xf32>
    %reduce_sum3A_115 = vector.shape_cast %mul3A_114 : vector<1x4xf32> to vector<1x1x4xf32>
    %reduce_sum3A_116 = arith.constant dense<0.000000e+00> : vector<1xf32>
    %reduce_sum3A_117 = vector.multi_reduction <add>, %reduce_sum3A_115, %reduce_sum3A_116 [1, 2] : vector<1x1x4xf32> to vector<1xf32>
    %reduce_sum3A_118 = vector.shape_cast %reduce_sum3A_117 : vector<1xf32> to vector<1x1x1xf32>
    %reduce_sum3A_119 = vector.extract %reduce_sum3A_118[0, 0, 0] : f32 from vector<1x1x1xf32>
    %mul3A_120 = arith.constant 4.000000e+00 : f32
    %mul3A_121 = arith.mulf %mul3A_120, %reduce_sum3A_119 : f32
    %broadcast_in_dim3A_122 = arith.constant 0.000000e+00 : f32
    %broadcast_in_dim3A_123 = vector.broadcast %broadcast_in_dim3A_122 : f32 to vector<1x1xf32>
    %add3A_124 = vector.broadcast %mul3A_101 : f32 to vector<1x1xf32>
    %add3A_125 = arith.addf %broadcast_in_dim3A_123, %add3A_124 : vector<1x1xf32>
    %add3A_126 = vector.broadcast %mul3A_121 : f32 to vector<1x1xf32>
    %add3A_127 = arith.addf %add3A_125, %add3A_126 : vector<1x1xf32>
    %swap3A = arith.constant 0 : index
    %swap3A_128 = arith.constant 0 : index
    %swap3A_129 = vector.load %arg8[%swap3A, %swap3A_128] : memref<1x1xf32, #tpu.memory_space<vmem>>, vector<1x1xf32>
    tpu.vector_store %arg8[%swap3A, %swap3A_128], %add3A_127 {strides = array<i32>} : memref<1x1xf32, #tpu.memory_space<vmem>>, vector<1x1xf32>,
    %reduce_sum3A_130 = arith.constant dense<0.000000e+00> : vector<8xf32>
    %reduce_sum3A_131 = vector.multi_reduction <add>, %convert_element_type3A_69, %reduce_sum3A_130 [0] : vector<2048x8xf32> to vector<8xf32>
    %broadcast_in_dim3A_132 = vector.shape_cast %reduce_sum3A_131 : vector<8xf32> to vector<1x8xf32>
    %reshape3A = vector.shape_cast %broadcast_in_dim3A_132 : vector<1x8xf32> to vector<8x1xf32>
    %div3A_133 = arith.constant 5.120000e+02 : f32
    %div3A_134 = vector.broadcast %div3A_133 : f32 to vector<8x1xf32>
    %div3A_135 = arith.divf %reshape3A, %div3A_134 : vector<8x1xf32>
    %ceil3A = math.ceil %div3A_135 : vector<8x1xf32>
    %iota3A_136 = tpu.iota {dimensions = array<i32: 0>} : vector<8x8xi32>
    %convert_element_type3A_137 = arith.sitofp %iota3A_136 : vector<8x8xi32> to vector<8x8xf32>
    %iota3A_138 = tpu.iota {dimensions = array<i32: 1>} : vector<8x8xi32>
    %convert_element_type3A_139 = arith.sitofp %iota3A_138 : vector<8x8xi32> to vector<8x8xf32>
    %le3A = arith.cmpf ole, %convert_element_type3A_139, %convert_element_type3A_137 : vector<8x8xf32>
    %convert_element_type3A_140 = arith.extui %le3A : vector<8x8xi1> to vector<8x8xi32>
    %convert_element_type3A_141 = arith.sitofp %convert_element_type3A_140 : vector<8x8xi32> to vector<8x8xf32>
    %dot_general3A_142 = arith.constant dense<0.000000e+00> : vector<8x1xf32>
    %dot_general3A_143 = tpu.matmul %convert_element_type3A_141, %ceil3A, %dot_general3A_142 {dimension_numbers = #tpu.dot_dimension_numbers<[1], [0], [0], [1], [0, 0, 1, 1], [], []>, transpose_lhs_hint = false} : vector<8x8xf32>, vector<8x1xf32>, vector<8x1xf32> -> vector<8x1xf32>
    %sub3A_144 = arith.subf %dot_general3A_143, %ceil3A : vector<8x1xf32>
    %mul3A_145 = arith.constant 5.120000e+02 : f32
    %mul3A_146 = vector.broadcast %mul3A_145 : f32 to vector<8x1xf32>
    %mul3A_147 = arith.mulf %sub3A_144, %mul3A_146 : vector<8x1xf32>
    %iota3A_148 = tpu.iota {dimensions = array<i32: 0>} : vector<128x128xi32>
    %convert_element_type3A_149 = arith.sitofp %iota3A_148 : vector<128x128xi32> to vector<128x128xf32>
    %iota3A_150 = tpu.iota {dimensions = array<i32: 1>} : vector<128x128xi32>
    %convert_element_type3A_151 = arith.sitofp %iota3A_150 : vector<128x128xi32> to vector<128x128xf32>
    %lt3A = arith.cmpf olt, %convert_element_type3A_151, %convert_element_type3A_149 : vector<128x128xf32>
    %convert_element_type3A_152 = arith.extui %lt3A : vector<128x128xi1> to vector<128x128xi32>
    %convert_element_type3A_153 = arith.sitofp %convert_element_type3A_152 : vector<128x128xi32> to vector<128x128xf32>
    %broadcast_in_dim3A_154 = arith.constant 0.000000e+00 : f32
    %broadcast_in_dim3A_155 = vector.broadcast %broadcast_in_dim3A_154 : f32 to vector<1x8xf32>
    %slice3A = vector.extract_strided_slice %convert_element_type3A_69 {offsets = [0, 0], sizes = [128, 8], strides = [1, 1]} : vector<2048x8xf32> to vector<128x8xf32>
    %dot_general3A_156 = arith.constant dense<0.000000e+00> : vector<128x8xf32>
    %dot_general3A_157 = tpu.matmul %convert_element_type3A_153, %slice3A, %dot_general3A_156 {dimension_numbers = #tpu.dot_dimension_numbers<[1], [0], [0], [1], [0, 0, 1, 1], [], []>, transpose_lhs_hint = false} : vector<128x128xf32>, vector<128x8xf32>, vector<128x8xf32> -> vector<128x8xf32>
    %add3A_158 = vector.broadcast %broadcast_in_dim3A_155 : vector<1x8xf32> to vector<128x8xf32>
    %add3A_159 = arith.addf %dot_general3A_157, %add3A_158 : vector<128x8xf32>
    %reduce_sum3A_160 = arith.constant dense<0.000000e+00> : vector<8xf32>
    %reduce_sum3A_161 = vector.multi_reduction <add>, %slice3A, %reduce_sum3A_160 [0] : vector<128x8xf32> to vector<8xf32>
    %broadcast_in_dim3A_162 = vector.shape_cast %reduce_sum3A_161 : vector<8xf32> to vector<1x8xf32>
    %add3A_163 = arith.addf %broadcast_in_dim3A_155, %broadcast_in_dim3A_162 : vector<1x8xf32>
    %slice3A_164 = vector.extract_strided_slice %convert_element_type3A_69 {offsets = [128, 0], sizes = [128, 8], strides = [1, 1]} : vector<2048x8xf32> to vector<128x8xf32>
    %dot_general3A_165 = arith.constant dense<0.000000e+00> : vector<128x8xf32>
    %dot_general3A_166 = tpu.matmul %convert_element_type3A_153, %slice3A_164, %dot_general3A_165 {dimension_numbers = #tpu.dot_dimension_numbers<[1], [0], [0], [1], [0, 0, 1, 1], [], []>, transpose_lhs_hint = false} : vector<128x128xf32>, vector<128x8xf32>, vector<128x8xf32> -> vector<128x8xf32>
    %add3A_167 = vector.broadcast %add3A_163 : vector<1x8xf32> to vector<128x8xf32>
    %add3A_168 = arith.addf %dot_general3A_166, %add3A_167 : vector<128x8xf32>
    %reduce_sum3A_169 = arith.constant dense<0.000000e+00> : vector<8xf32>
    %reduce_sum3A_170 = vector.multi_reduction <add>, %slice3A_164, %reduce_sum3A_169 [0] : vector<128x8xf32> to vector<8xf32>
    %broadcast_in_dim3A_171 = vector.shape_cast %reduce_sum3A_170 : vector<8xf32> to vector<1x8xf32>
    %add3A_172 = arith.addf %add3A_163, %broadcast_in_dim3A_171 : vector<1x8xf32>
    %slice3A_173 = vector.extract_strided_slice %convert_element_type3A_69 {offsets = [256, 0], sizes = [128, 8], strides = [1, 1]} : vector<2048x8xf32> to vector<128x8xf32>
    %dot_general3A_174 = arith.constant dense<0.000000e+00> : vector<128x8xf32>
    %dot_general3A_175 = tpu.matmul %convert_element_type3A_153, %slice3A_173, %dot_general3A_174 {dimension_numbers = #tpu.dot_dimension_numbers<[1], [0], [0], [1], [0, 0, 1, 1], [], []>, transpose_lhs_hint = false} : vector<128x128xf32>, vector<128x8xf32>, vector<128x8xf32> -> vector<128x8xf32>
    %add3A_176 = vector.broadcast %add3A_172 : vector<1x8xf32> to vector<128x8xf32>
    %add3A_177 = arith.addf %dot_general3A_175, %add3A_176 : vector<128x8xf32>
    %reduce_sum3A_178 = arith.constant dense<0.000000e+00> : vector<8xf32>
    %reduce_sum3A_179 = vector.multi_reduction <add>, %slice3A_173, %reduce_sum3A_178 [0] : vector<128x8xf32> to vector<8xf32>
    %broadcast_in_dim3A_180 = vector.shape_cast %reduce_sum3A_179 : vector<8xf32> to vector<1x8xf32>
    %add3A_181 = arith.addf %add3A_172, %broadcast_in_dim3A_180 : vector<1x8xf32>
    %slice3A_182 = vector.extract_strided_slice %convert_element_type3A_69 {offsets = [384, 0], sizes = [128, 8], strides = [1, 1]} : vector<2048x8xf32> to vector<128x8xf32>
    %dot_general3A_183 = arith.constant dense<0.000000e+00> : vector<128x8xf32>
    %dot_general3A_184 = tpu.matmul %convert_element_type3A_153, %slice3A_182, %dot_general3A_183 {dimension_numbers = #tpu.dot_dimension_numbers<[1], [0], [0], [1], [0, 0, 1, 1], [], []>, transpose_lhs_hint = false} : vector<128x128xf32>, vector<128x8xf32>, vector<128x8xf32> -> vector<128x8xf32>
    %add3A_185 = vector.broadcast %add3A_181 : vector<1x8xf32> to vector<128x8xf32>
    %add3A_186 = arith.addf %dot_general3A_184, %add3A_185 : vector<128x8xf32>
    %reduce_sum3A_187 = arith.constant dense<0.000000e+00> : vector<8xf32>
    %reduce_sum3A_188 = vector.multi_reduction <add>, %slice3A_182, %reduce_sum3A_187 [0] : vector<128x8xf32> to vector<8xf32>
    %broadcast_in_dim3A_189 = vector.shape_cast %reduce_sum3A_188 : vector<8xf32> to vector<1x8xf32>
    %add3A_190 = arith.addf %add3A_181, %broadcast_in_dim3A_189 : vector<1x8xf32>
    %slice3A_191 = vector.extract_strided_slice %convert_element_type3A_69 {offsets = [512, 0], sizes = [128, 8], strides = [1, 1]} : vector<2048x8xf32> to vector<128x8xf32>
    %dot_general3A_192 = arith.constant dense<0.000000e+00> : vector<128x8xf32>
    %dot_general3A_193 = tpu.matmul %convert_element_type3A_153, %slice3A_191, %dot_general3A_192 {dimension_numbers = #tpu.dot_dimension_numbers<[1], [0], [0], [1], [0, 0, 1, 1], [], []>, transpose_lhs_hint = false} : vector<128x128xf32>, vector<128x8xf32>, vector<128x8xf32> -> vector<128x8xf32>
    %add3A_194 = vector.broadcast %add3A_190 : vector<1x8xf32> to vector<128x8xf32>
    %add3A_195 = arith.addf %dot_general3A_193, %add3A_194 : vector<128x8xf32>
    %reduce_sum3A_196 = arith.constant dense<0.000000e+00> : vector<8xf32>
    %reduce_sum3A_197 = vector.multi_reduction <add>, %slice3A_191, %reduce_sum3A_196 [0] : vector<128x8xf32> to vector<8xf32>
    %broadcast_in_dim3A_198 = vector.shape_cast %reduce_sum3A_197 : vector<8xf32> to vector<1x8xf32>
    %add3A_199 = arith.addf %add3A_190, %broadcast_in_dim3A_198 : vector<1x8xf32>
    %slice3A_200 = vector.extract_strided_slice %convert_element_type3A_69 {offsets = [640, 0], sizes = [128, 8], strides = [1, 1]} : vector<2048x8xf32> to vector<128x8xf32>
    %dot_general3A_201 = arith.constant dense<0.000000e+00> : vector<128x8xf32>
    %dot_general3A_202 = tpu.matmul %convert_element_type3A_153, %slice3A_200, %dot_general3A_201 {dimension_numbers = #tpu.dot_dimension_numbers<[1], [0], [0], [1], [0, 0, 1, 1], [], []>, transpose_lhs_hint = false} : vector<128x128xf32>, vector<128x8xf32>, vector<128x8xf32> -> vector<128x8xf32>
    %add3A_203 = vector.broadcast %add3A_199 : vector<1x8xf32> to vector<128x8xf32>
    %add3A_204 = arith.addf %dot_general3A_202, %add3A_203 : vector<128x8xf32>
    %reduce_sum3A_205 = arith.constant dense<0.000000e+00> : vector<8xf32>
    %reduce_sum3A_206 = vector.multi_reduction <add>, %slice3A_200, %reduce_sum3A_205 [0] : vector<128x8xf32> to vector<8xf32>
    %broadcast_in_dim3A_207 = vector.shape_cast %reduce_sum3A_206 : vector<8xf32> to vector<1x8xf32>
    %add3A_208 = arith.addf %add3A_199, %broadcast_in_dim3A_207 : vector<1x8xf32>
    %slice3A_209 = vector.extract_strided_slice %convert_element_type3A_69 {offsets = [768, 0], sizes = [128, 8], strides = [1, 1]} : vector<2048x8xf32> to vector<128x8xf32>
    %dot_general3A_210 = arith.constant dense<0.000000e+00> : vector<128x8xf32>
    %dot_general3A_211 = tpu.matmul %convert_element_type3A_153, %slice3A_209, %dot_general3A_210 {dimension_numbers = #tpu.dot_dimension_numbers<[1], [0], [0], [1], [0, 0, 1, 1], [], []>, transpose_lhs_hint = false} : vector<128x128xf32>, vector<128x8xf32>, vector<128x8xf32> -> vector<128x8xf32>
    %add3A_212 = vector.broadcast %add3A_208 : vector<1x8xf32> to vector<128x8xf32>
    %add3A_213 = arith.addf %dot_general3A_211, %add3A_212 : vector<128x8xf32>
    %reduce_sum3A_214 = arith.constant dense<0.000000e+00> : vector<8xf32>
    %reduce_sum3A_215 = vector.multi_reduction <add>, %slice3A_209, %reduce_sum3A_214 [0] : vector<128x8xf32> to vector<8xf32>
    %broadcast_in_dim3A_216 = vector.shape_cast %reduce_sum3A_215 : vector<8xf32> to vector<1x8xf32>
    %add3A_217 = arith.addf %add3A_208, %broadcast_in_dim3A_216 : vector<1x8xf32>
    %slice3A_218 = vector.extract_strided_slice %convert_element_type3A_69 {offsets = [896, 0], sizes = [128, 8], strides = [1, 1]} : vector<2048x8xf32> to vector<128x8xf32>
    %dot_general3A_219 = arith.constant dense<0.000000e+00> : vector<128x8xf32>
    %dot_general3A_220 = tpu.matmul %convert_element_type3A_153, %slice3A_218, %dot_general3A_219 {dimension_numbers = #tpu.dot_dimension_numbers<[1], [0], [0], [1], [0, 0, 1, 1], [], []>, transpose_lhs_hint = false} : vector<128x128xf32>, vector<128x8xf32>, vector<128x8xf32> -> vector<128x8xf32>
    %add3A_221 = vector.broadcast %add3A_217 : vector<1x8xf32> to vector<128x8xf32>
    %add3A_222 = arith.addf %dot_general3A_220, %add3A_221 : vector<128x8xf32>
    %reduce_sum3A_223 = arith.constant dense<0.000000e+00> : vector<8xf32>
    %reduce_sum3A_224 = vector.multi_reduction <add>, %slice3A_218, %reduce_sum3A_223 [0] : vector<128x8xf32> to vector<8xf32>
    %broadcast_in_dim3A_225 = vector.shape_cast %reduce_sum3A_224 : vector<8xf32> to vector<1x8xf32>
    %add3A_226 = arith.addf %add3A_217, %broadcast_in_dim3A_225 : vector<1x8xf32>
    %slice3A_227 = vector.extract_strided_slice %convert_element_type3A_69 {offsets = [1024, 0], sizes = [128, 8], strides = [1, 1]} : vector<2048x8xf32> to vector<128x8xf32>
    %dot_general3A_228 = arith.constant dense<0.000000e+00> : vector<128x8xf32>
    %dot_general3A_229 = tpu.matmul %convert_element_type3A_153, %slice3A_227, %dot_general3A_228 {dimension_numbers = #tpu.dot_dimension_numbers<[1], [0], [0], [1], [0, 0, 1, 1], [], []>, transpose_lhs_hint = false} : vector<128x128xf32>, vector<128x8xf32>, vector<128x8xf32> -> vector<128x8xf32>
    %add3A_230 = vector.broadcast %add3A_226 : vector<1x8xf32> to vector<128x8xf32>
    %add3A_231 = arith.addf %dot_general3A_229, %add3A_230 : vector<128x8xf32>
    %reduce_sum3A_232 = arith.constant dense<0.000000e+00> : vector<8xf32>
    %reduce_sum3A_233 = vector.multi_reduction <add>, %slice3A_227, %reduce_sum3A_232 [0] : vector<128x8xf32> to vector<8xf32>
    %broadcast_in_dim3A_234 = vector.shape_cast %reduce_sum3A_233 : vector<8xf32> to vector<1x8xf32>
    %add3A_235 = arith.addf %add3A_226, %broadcast_in_dim3A_234 : vector<1x8xf32>
    %slice3A_236 = vector.extract_strided_slice %convert_element_type3A_69 {offsets = [1152, 0], sizes = [128, 8], strides = [1, 1]} : vector<2048x8xf32> to vector<128x8xf32>
    %dot_general3A_237 = arith.constant dense<0.000000e+00> : vector<128x8xf32>
    %dot_general3A_238 = tpu.matmul %convert_element_type3A_153, %slice3A_236, %dot_general3A_237 {dimension_numbers = #tpu.dot_dimension_numbers<[1], [0], [0], [1], [0, 0, 1, 1], [], []>, transpose_lhs_hint = false} : vector<128x128xf32>, vector<128x8xf32>, vector<128x8xf32> -> vector<128x8xf32>
    %add3A_239 = vector.broadcast %add3A_235 : vector<1x8xf32> to vector<128x8xf32>
    %add3A_240 = arith.addf %dot_general3A_238, %add3A_239 : vector<128x8xf32>
    %reduce_sum3A_241 = arith.constant dense<0.000000e+00> : vector<8xf32>
    %reduce_sum3A_242 = vector.multi_reduction <add>, %slice3A_236, %reduce_sum3A_241 [0] : vector<128x8xf32> to vector<8xf32>
    %broadcast_in_dim3A_243 = vector.shape_cast %reduce_sum3A_242 : vector<8xf32> to vector<1x8xf32>
    %add3A_244 = arith.addf %add3A_235, %broadcast_in_dim3A_243 : vector<1x8xf32>
    %slice3A_245 = vector.extract_strided_slice %convert_element_type3A_69 {offsets = [1280, 0], sizes = [128, 8], strides = [1, 1]} : vector<2048x8xf32> to vector<128x8xf32>
    %dot_general3A_246 = arith.constant dense<0.000000e+00> : vector<128x8xf32>
    %dot_general3A_247 = tpu.matmul %convert_element_type3A_153, %slice3A_245, %dot_general3A_246 {dimension_numbers = #tpu.dot_dimension_numbers<[1], [0], [0], [1], [0, 0, 1, 1], [], []>, transpose_lhs_hint = false} : vector<128x128xf32>, vector<128x8xf32>, vector<128x8xf32> -> vector<128x8xf32>
    %add3A_248 = vector.broadcast %add3A_244 : vector<1x8xf32> to vector<128x8xf32>
    %add3A_249 = arith.addf %dot_general3A_247, %add3A_248 : vector<128x8xf32>
    %reduce_sum3A_250 = arith.constant dense<0.000000e+00> : vector<8xf32>
    %reduce_sum3A_251 = vector.multi_reduction <add>, %slice3A_245, %reduce_sum3A_250 [0] : vector<128x8xf32> to vector<8xf32>
    %broadcast_in_dim3A_252 = vector.shape_cast %reduce_sum3A_251 : vector<8xf32> to vector<1x8xf32>
    %add3A_253 = arith.addf %add3A_244, %broadcast_in_dim3A_252 : vector<1x8xf32>
    %slice3A_254 = vector.extract_strided_slice %convert_element_type3A_69 {offsets = [1408, 0], sizes = [128, 8], strides = [1, 1]} : vector<2048x8xf32> to vector<128x8xf32>
    %dot_general3A_255 = arith.constant dense<0.000000e+00> : vector<128x8xf32>
    %dot_general3A_256 = tpu.matmul %convert_element_type3A_153, %slice3A_254, %dot_general3A_255 {dimension_numbers = #tpu.dot_dimension_numbers<[1], [0], [0], [1], [0, 0, 1, 1], [], []>, transpose_lhs_hint = false} : vector<128x128xf32>, vector<128x8xf32>, vector<128x8xf32> -> vector<128x8xf32>
    %add3A_257 = vector.broadcast %add3A_253 : vector<1x8xf32> to vector<128x8xf32>
    %add3A_258 = arith.addf %dot_general3A_256, %add3A_257 : vector<128x8xf32>
    %reduce_sum3A_259 = arith.constant dense<0.000000e+00> : vector<8xf32>
    %reduce_sum3A_260 = vector.multi_reduction <add>, %slice3A_254, %reduce_sum3A_259 [0] : vector<128x8xf32> to vector<8xf32>
    %broadcast_in_dim3A_261 = vector.shape_cast %reduce_sum3A_260 : vector<8xf32> to vector<1x8xf32>
    %add3A_262 = arith.addf %add3A_253, %broadcast_in_dim3A_261 : vector<1x8xf32>
    %slice3A_263 = vector.extract_strided_slice %convert_element_type3A_69 {offsets = [1536, 0], sizes = [128, 8], strides = [1, 1]} : vector<2048x8xf32> to vector<128x8xf32>
    %dot_general3A_264 = arith.constant dense<0.000000e+00> : vector<128x8xf32>
    %dot_general3A_265 = tpu.matmul %convert_element_type3A_153, %slice3A_263, %dot_general3A_264 {dimension_numbers = #tpu.dot_dimension_numbers<[1], [0], [0], [1], [0, 0, 1, 1], [], []>, transpose_lhs_hint = false} : vector<128x128xf32>, vector<128x8xf32>, vector<128x8xf32> -> vector<128x8xf32>
    %add3A_266 = vector.broadcast %add3A_262 : vector<1x8xf32> to vector<128x8xf32>
    %add3A_267 = arith.addf %dot_general3A_265, %add3A_266 : vector<128x8xf32>
    %reduce_sum3A_268 = arith.constant dense<0.000000e+00> : vector<8xf32>
    %reduce_sum3A_269 = vector.multi_reduction <add>, %slice3A_263, %reduce_sum3A_268 [0] : vector<128x8xf32> to vector<8xf32>
    %broadcast_in_dim3A_270 = vector.shape_cast %reduce_sum3A_269 : vector<8xf32> to vector<1x8xf32>
    %add3A_271 = arith.addf %add3A_262, %broadcast_in_dim3A_270 : vector<1x8xf32>
    %slice3A_272 = vector.extract_strided_slice %convert_element_type3A_69 {offsets = [1664, 0], sizes = [128, 8], strides = [1, 1]} : vector<2048x8xf32> to vector<128x8xf32>
    %dot_general3A_273 = arith.constant dense<0.000000e+00> : vector<128x8xf32>
    %dot_general3A_274 = tpu.matmul %convert_element_type3A_153, %slice3A_272, %dot_general3A_273 {dimension_numbers = #tpu.dot_dimension_numbers<[1], [0], [0], [1], [0, 0, 1, 1], [], []>, transpose_lhs_hint = false} : vector<128x128xf32>, vector<128x8xf32>, vector<128x8xf32> -> vector<128x8xf32>
    %add3A_275 = vector.broadcast %add3A_271 : vector<1x8xf32> to vector<128x8xf32>
    %add3A_276 = arith.addf %dot_general3A_274, %add3A_275 : vector<128x8xf32>
    %reduce_sum3A_277 = arith.constant dense<0.000000e+00> : vector<8xf32>
    %reduce_sum3A_278 = vector.multi_reduction <add>, %slice3A_272, %reduce_sum3A_277 [0] : vector<128x8xf32> to vector<8xf32>
    %broadcast_in_dim3A_279 = vector.shape_cast %reduce_sum3A_278 : vector<8xf32> to vector<1x8xf32>
    %add3A_280 = arith.addf %add3A_271, %broadcast_in_dim3A_279 : vector<1x8xf32>
    %slice3A_281 = vector.extract_strided_slice %convert_element_type3A_69 {offsets = [1792, 0], sizes = [128, 8], strides = [1, 1]} : vector<2048x8xf32> to vector<128x8xf32>
    %dot_general3A_282 = arith.constant dense<0.000000e+00> : vector<128x8xf32>
    %dot_general3A_283 = tpu.matmul %convert_element_type3A_153, %slice3A_281, %dot_general3A_282 {dimension_numbers = #tpu.dot_dimension_numbers<[1], [0], [0], [1], [0, 0, 1, 1], [], []>, transpose_lhs_hint = false} : vector<128x128xf32>, vector<128x8xf32>, vector<128x8xf32> -> vector<128x8xf32>
    %add3A_284 = vector.broadcast %add3A_280 : vector<1x8xf32> to vector<128x8xf32>
    %add3A_285 = arith.addf %dot_general3A_283, %add3A_284 : vector<128x8xf32>
    %reduce_sum3A_286 = arith.constant dense<0.000000e+00> : vector<8xf32>
    %reduce_sum3A_287 = vector.multi_reduction <add>, %slice3A_281, %reduce_sum3A_286 [0] : vector<128x8xf32> to vector<8xf32>
    %broadcast_in_dim3A_288 = vector.shape_cast %reduce_sum3A_287 : vector<8xf32> to vector<1x8xf32>
    %add3A_289 = arith.addf %add3A_280, %broadcast_in_dim3A_288 : vector<1x8xf32>
    %slice3A_290 = vector.extract_strided_slice %convert_element_type3A_69 {offsets = [1920, 0], sizes = [128, 8], strides = [1, 1]} : vector<2048x8xf32> to vector<128x8xf32>
    %dot_general3A_291 = arith.constant dense<0.000000e+00> : vector<128x8xf32>
    %dot_general3A_292 = tpu.matmul %convert_element_type3A_153, %slice3A_290, %dot_general3A_291 {dimension_numbers = #tpu.dot_dimension_numbers<[1], [0], [0], [1], [0, 0, 1, 1], [], []>, transpose_lhs_hint = false} : vector<128x128xf32>, vector<128x8xf32>, vector<128x8xf32> -> vector<128x8xf32>
    %add3A_293 = vector.broadcast %add3A_289 : vector<1x8xf32> to vector<128x8xf32>
    %add3A_294 = arith.addf %dot_general3A_292, %add3A_293 : vector<128x8xf32>
    %concatenate3A = tpu.concatenate %add3A_159, %add3A_168, %add3A_177, %add3A_186, %add3A_195, %add3A_204, %add3A_213, %add3A_222, %add3A_231, %add3A_240, %add3A_249, %add3A_258, %add3A_267, %add3A_276, %add3A_285, %add3A_294 in 0 : vector<128x8xf32>, vector<128x8xf32>, vector<128x8xf32>, vector<128x8xf32>, vector<128x8xf32>, vector<128x8xf32>, vector<128x8xf32>, vector<128x8xf32>, vector<128x8xf32>, vector<128x8xf32>, vector<128x8xf32>, vector<128x8xf32>, vector<128x8xf32>, vector<128x8xf32>, vector<128x8xf32>, vector<128x8xf32> -> vector<2048x8xf32>
    %dot_general3A_295 = arith.constant dense<0.000000e+00> : vector<2048x1xf32>
    %dot_general3A_296 = tpu.matmul %convert_element_type3A_69, %mul3A_147, %dot_general3A_295 {dimension_numbers = #tpu.dot_dimension_numbers<[1], [0], [0], [1], [0, 0, 1, 1], [], []>, transpose_lhs_hint = false} : vector<2048x8xf32>, vector<8x1xf32>, vector<2048x1xf32> -> vector<2048x1xf32>
    %mul3A_297 = arith.mulf %convert_element_type3A_69, %concatenate3A : vector<2048x8xf32>
    %reduce_sum3A_298 = arith.constant dense<0.000000e+00> : vector<2048xf32>
    %reduce_sum3A_299 = vector.multi_reduction <add>, %mul3A_297, %reduce_sum3A_298 [1] : vector<2048x8xf32> to vector<2048xf32>
    %broadcast_in_dim3A_300 = vector.shape_cast %reduce_sum3A_299 : vector<2048xf32> to vector<2048x1xf32>
    %add3A_301 = arith.addf %dot_general3A_296, %broadcast_in_dim3A_300 : vector<2048x1xf32>
    %convert_element_type3A_302 = arith.fptosi %add3A_301 : vector<2048x1xf32> to vector<2048x1xi32>
    %reshape3A_303 = vector.shape_cast %convert_element_type3A_302 : vector<2048x1xi32> to vector<16x128xi32>
    %swap3A_304 = arith.constant 0 : index
    %swap3A_305 = arith.constant 0 : index
    %swap3A_306 = vector.load %arg5[%swap3A_304, %swap3A_305] : memref<16x128xi32, #tpu.memory_space<vmem>>, vector<16x128xi32>
    tpu.vector_store %arg5[%swap3A_304, %swap3A_305], %reshape3A_303 {strides = array<i32>} : memref<16x128xi32, #tpu.memory_space<vmem>>, vector<16x128xi32>,
    %iota3A_307 = tpu.iota {dimensions = array<i32: 1>} : vector<8x11xi32>
    %convert_element_type3A_308 = arith.sitofp %iota3A_307 : vector<8x11xi32> to vector<8x11xf32>
    %broadcast_in_dim3A_309 = vector.shape_cast %dot_general3A_143 : vector<8x1xf32> to vector<8x1xf32>
    %broadcast_in_dim3A_310 = vector.broadcast %broadcast_in_dim3A_309 : vector<8x1xf32> to vector<8x11xf32>
    %le3A_311 = arith.cmpf ole, %broadcast_in_dim3A_310, %convert_element_type3A_308 : vector<8x11xf32>
    %convert_element_type3A_312 = arith.extui %le3A_311 : vector<8x11xi1> to vector<8x11xi32>
    %convert_element_type3A_313 = arith.sitofp %convert_element_type3A_312 : vector<8x11xi32> to vector<8x11xf32>
    %reduce_sum3A_314 = arith.constant dense<0.000000e+00> : vector<11xf32>
    %reduce_sum3A_315 = vector.multi_reduction <add>, %convert_element_type3A_313, %reduce_sum3A_314 [0] : vector<8x11xf32> to vector<11xf32>
    %broadcast_in_dim3A_316 = vector.shape_cast %reduce_sum3A_315 : vector<11xf32> to vector<1x11xf32>
    %slice3A_317 = vector.extract_strided_slice %dot_general3A_143 {offsets = [7, 0], sizes = [1, 1], strides = [1, 1]} : vector<8x1xf32> to vector<1x1xf32>
    %iota3A_318 = tpu.iota {dimensions = array<i32: 1>} : vector<1x11xi32>
    %convert_element_type3A_319 = arith.sitofp %iota3A_318 : vector<1x11xi32> to vector<1x11xf32>
    %lt3A_320 = vector.broadcast %slice3A_317 : vector<1x1xf32> to vector<1x11xf32>
    %lt3A_321 = arith.cmpf olt, %convert_element_type3A_319, %lt3A_320 : vector<1x11xf32>
    %jit3A_322 = arith.constant 0.000000e+00 : f32
    %broadcast_in_dim3A_323 = vector.broadcast %jit3A_322 : f32 to vector<1x11xf32>
    %select_n3A_324 = arith.select %lt3A_321, %broadcast_in_dim3A_316, %broadcast_in_dim3A_323 : vector<1x11xi1>, vector<1x11xf32>
    %reduce_max3A_325 = vector.shape_cast %select_n3A_324 : vector<1x11xf32> to vector<1x1x11xf32>
    %reduce_max3A_326 = arith.constant dense<0xFF800000> : vector<1xf32>
    %reduce_max3A_327 = vector.multi_reduction <maximumf>, %reduce_max3A_325, %reduce_max3A_326 [1, 2] : vector<1x1x11xf32> to vector<1xf32>
    %reduce_max3A_328 = vector.shape_cast %reduce_max3A_327 : vector<1xf32> to vector<1x1x1xf32>
    %reduce_max3A_329 = vector.extract %reduce_max3A_328[0, 0, 0] : f32 from vector<1x1x1xf32>
    %min3A = vector.broadcast %reduce_max3A_329 : f32 to vector<1x11xf32>
    %min3A_330 = arith.minimumf %broadcast_in_dim3A_316, %min3A : vector<1x11xf32>
    %convert_element_type3A_331 = arith.fptosi %min3A_330 : vector<1x11xf32> to vector<1x11xi32>
    %swap3A_332 = arith.constant 0 : index
    %swap3A_333 = arith.constant 0 : index
    %swap3A_334 = vector.load %arg6[%swap3A_332, %swap3A_333] : memref<1x11xi32, #tpu.memory_space<vmem>>, vector<1x11xi32>
    tpu.vector_store %arg6[%swap3A_332, %swap3A_333], %convert_element_type3A_331 {strides = array<i32>} : memref<1x11xi32, #tpu.memory_space<vmem>>, vector<1x11xi32>,
    %convert_element_type3A_335 = arith.fptosi %slice3A_317 : vector<1x1xf32> to vector<1x1xi32>
    %swap3A_336 = arith.constant 0 : index
    %swap3A_337 = arith.constant 0 : index
    %swap3A_338 = vector.load %arg7[%swap3A_336, %swap3A_337] : memref<1x1xi32, #tpu.memory_space<vmem>>, vector<1x1xi32>
    tpu.vector_store %arg7[%swap3A_336, %swap3A_337], %convert_element_type3A_335 {strides = array<i32>} : memref<1x1xi32, #tpu.memory_space<vmem>>, vector<1x1xi32>,
    return
  }
}

</mosaic_0001>

<sc_bundles>
// kernel: kernel.6.cloned.1.call-start
scs
__scs_entry_jumppad:
0x0: {  	(pc) =	sbr.rel $0x88, $3  }
0x1: {  	(tag) =	ssettag $0x0;
	lr =	simm.s32 $0x1  }
0x2: {  	[smem:$0x3F98] =	sst lr;
	_ =	strace $0xD0000000  }
0x3: {  	_ = 	snop  }
0x4: {  	_ = 	snop  }
0x5: {  	_ = 	snop  }
0x6: {  	_ = 	snop  }
0x7: {  	_ = 	snop  }
__scs_overlays_trampoline_lowered:
0x8: {  	[smem:$0x3FA7] =	sst s0  }
0x9: {  	[smem:$0x3FA8] =	sst s1  }
0xa: {  	[smem:$0x3FA9] =	sst s2  }
0xb: {  	[smem:$0x3FAA] =	sst s3  }
0xc: {  	[smem:$0x3FAB] =	sst s4  }
0xd: {  	[smem:$0x3FAC] =	sst s5  }
0xe: {  	[smem:$0x3FAD] =	sst s6  }
0xf: {  	[smem:$0x3FAE] =	sst s7  }
0x10: {  	[smem:$0x3FAF] =	sst s8  }
0x11: {  	[smem:$0x3FB0] =	sst s9;
	s0 =	simm.s32 @!p0 $0x0  }
0x12: {  	s1 =	sld [smem:$0x3F96];
	s0 =	simm.s32 @p0 $0x1  }
0x13: {  	[smem:$0x3FB1] =	sst s0;
	s0 =	simm.s32 @!p1 $0x0  }
0x14: {  	s2 =	sld [smem:$0x3F95];
	s0 =	simm.s32 @p1 $0x1  }
0x15: {  	[smem:$0x3FB2] =	sst s0;
	s0 =	simm.s32 @!p2 $0x0  }
0x16: {  	s3 =	sld [smem:$0x3FDB];
	s0 =	simm.s32 @p2 $0x1  }
0x17: {  	s4 =	simm.s32 $0x1BF5;
	[smem:$0x3FB4] =	sst s0  }
0x18: {  	s0 =	sld [smem:$0x3F97];
	_ =	swait.ge [sflag:s4], $0x0  }
0x19: {  	s7 =	sld [smem:$0x3F98]  }
0x1a: {  	s8 =	sadd.s32 $0xFFFFE003, lr  }
0x1b: {  	s9 =	sadd.s32 $0xFFFFFEF7, lr;
	s5 =	simm.s32 $0xFFFFFFFF;
	p2 =	slt.u32 s8, $0xFFFFF086  }
0x1c: {  	p1 =	slt.u32 s9, $0xF7A;
	s5 =	simm.s32 @!p2 $0x0  }
0x1d: {  	s5 =	simm.s32 @p1 $0x1;
	p0 =	seq.s32 s7, s2  }
0x1e: {  	s7 =	smul.u32 @!p0 $0xF7A, s2;
	p2 =	seq.s32 @!p0 s5, $0x0  }
0x1f: {  	s9 =	smul.u32 $0xF7A, s1;
	s8 =	simm.s32 @!p0 $0x1BF5;
	p2 =	por !p2, p0  }
0x20: {  	[sflag:s8] =	ssyncset.s32 @!p0 $0xFFFFF086;
	s6 =	sadd.s32 @!p0 s3, s7;
	s7 =	simm.s32 @!p0 $0x108  }
0x21: {  	s3 =	sadd.s32 s3, s9;
	s6 =	sadd.s32 @!p0 $0x88, s6;
	s7 =	simm.s32 @p2 $0x1082  }
0x22: {  	[simem:s7], [sflag:s8] =	dma.local @!p0 [hbm:s6], $0xF7A  }
0x23: {  	s9 =	sor.u32 $0xD0000000, s2;
	s6 =	simm.s32 $0x108;
	_ =	swait.ge @!p0 [sflag:s8], $0x0  }
0x24: {  	s3 =	sadd.s32 $0x88, s3;
	s6 =	simm.s32 @!p1 $0x1082;
	[sflag:s4] =	ssyncset.s32 $0xFFFFF086  }
0x25: {  	[simem:s6], [sflag:s4] =	dma.local [hbm:s3], $0xF7A  }
0x26: {  	[smem:$0x3F98] =	sst s1;
	(tag) =	ssettag s2;
	_ =	strace s9  }
0x27: {  	s1 =	sld [smem:$0x3FA8]  }
0x28: {  	s2 =	sld [smem:$0x3FA9]  }
0x29: {  	s4 =	sld [smem:$0x3FAB]  }
0x2a: {  	p0 =	seq.s32 s5, $0x0;
	s5 =	sld [smem:$0x3FAC]  }
0x2b: {  	s6 =	sld [smem:$0x3FAD]  }
0x2c: {  	s7 =	sld [smem:$0x3FAE]  }
0x2d: {  	s3 =	simm.s32 $0x108;
	s8 =	sld [smem:$0x3FAF]  }
0x2e: {  	s3 =	simm.s32 @!p0 $0x1082;
	s9 =	sld [smem:$0x3FB0]  }
0x2f: {  	lr =	sadd.s32 s0, s3;
	s0 =	sld [smem:$0x3FA7]  }
0x30: {  	s3 =	sld [smem:$0x3FAA]  }
0x31: {  	[smem:$0x3FB3] =	sst s10  }
0x32: {  	s10 =	sld [smem:$0x3FB1];
	_ =	sdelay $0x3  }
0x33: {  	p0 =	seq.s32 s10, $0x1;
	s10 =	sld [smem:$0x3FB3];
	_ =	sdelay $0x3  }
0x34: {  	[smem:$0x3FB3] =	sst s10  }
0x35: {  	s10 =	sld [smem:$0x3FB2];
	_ =	sdelay $0x3  }
0x36: {  	p1 =	seq.s32 s10, $0x1;
	s10 =	sld [smem:$0x3FB3];
	_ =	sdelay $0x3  }
0x37: {  	[smem:$0x3FB3] =	sst s10  }
0x38: {  	s10 =	sld [smem:$0x3FB4]  }
0x39: {  	_ = 	snop;
	(pc) =	sbr.ind lr, $3  }
0x3a: {  	_ = 	snop  }
0x3b: {  	_ = 	snop  }
0x3c: {  	p2 =	seq.s32 s10, $0x1;
	s10 =	sld [smem:$0x3FB3]  }
0x3d: {  	_ =	shalt  }
0x3e: {  	_ =	shalt  }
0x3f: {  	_ =	shalt  }
0x40: {  	_ =	shalt  }
0x41: {  	_ =	shalt  }
0x42: {  	_ =	shalt  }
0x43: {  	_ =	shalt  }
0x44: {  	_ =	shalt  }
0x45: {  	_ =	shalt  }
0x46: {  	_ =	shalt  }
0x47: {  	_ =	shalt  }
0x48: {  	_ =	shalt  }
0x49: {  	_ =	shalt  }
0x4a: {  	_ =	shalt  }
0x4b: {  	_ =	shalt  }
0x4c: {  	_ =	shalt  }
0x4d: {  	_ =	shalt  }
0x4e: {  	_ =	shalt  }
0x4f: {  	_ =	shalt  }
0x50: {  	_ =	shalt  }
0x51: {  	_ =	shalt  }
0x52: {  	_ =	shalt  }
0x53: {  	_ =	shalt  }
0x54: {  	_ =	shalt  }
0x55: {  	_ =	shalt  }
0x56: {  	_ =	shalt  }
0x57: {  	_ =	shalt  }
0x58: {  	_ =	shalt  }
0x59: {  	_ =	shalt  }
0x5a: {  	_ =	shalt  }
0x5b: {  	_ =	shalt  }
0x5c: {  	_ =	shalt  }
0x5d: {  	_ =	shalt  }
0x5e: {  	_ =	shalt  }
0x5f: {  	_ =	shalt  }
0x60: {  	_ =	shalt  }
0x61: {  	_ =	shalt  }
0x62: {  	_ =	shalt  }
0x63: {  	_ =	shalt  }
0x64: {  	_ =	shalt  }
0x65: {  	_ =	shalt  }
0x66: {  	_ =	shalt  }
0x67: {  	_ =	shalt  }
0x68: {  	_ =	shalt  }
0x69: {  	_ =	shalt  }
0x6a: {  	_ =	shalt  }
0x6b: {  	_ =	shalt  }
0x6c: {  	_ =	shalt  }
0x6d: {  	_ =	shalt  }
0x6e: {  	_ =	shalt  }
0x6f: {  	_ =	shalt  }
0x70: {  	_ =	shalt  }
0x71: {  	_ =	shalt  }
0x72: {  	_ =	shalt  }
0x73: {  	_ =	shalt  }
0x74: {  	_ =	shalt  }
0x75: {  	_ =	shalt  }
0x76: {  	_ =	shalt  }
0x77: {  	_ =	shalt  }
0x78: {  	_ =	shalt  }
0x79: {  	_ =	shalt  }
0x7a: {  	_ =	shalt  }
0x7b: {  	_ =	shalt  }
0x7c: {  	_ =	shalt  }
0x7d: {  	_ =	shalt  }
0x7e: {  	_ =	shalt  }
0x7f: {  	_ =	shalt  }
0x80: {  	_ =	shalt  }
0x81: {  	_ =	shalt  }
0x82: {  	_ =	shalt  }
0x83: {  	_ =	shalt  }
0x84: {  	_ =	shalt  }
0x85: {  	_ =	shalt  }
0x86: {  	_ =	shalt  }
0x87: {  	_ =	shalt  }
.Lfunc_end0:
.L_simem_size_0:
called_computation_lowered:
.L_overlay_start_0:
0x88: {  	s2 =	sld [smem:$0x3FD9]  }
0x89: {  	s3 =	sld [smem:$0x3FFE];
	_ =	sdelay $0x1  }
0x8a: {  	s1 =	srdreg.scid  }
0x8b: {  	s0 =	sand.u32 $0x1, s1  }
0x8c: {  	s17 =	sshll.u32 s0, $0xA;
	s2 =	sadd.s32 s3, s2  }
0x8d: {  	s2 =	sadd.s32 s2, s17  }
0x8e: {  	[smem:$0x3FBF] =	sst s2  }
0x8f: {  	_ = 	snop  }
0x90: {  	s2 =	sld [smem:$0x3FC9];
	(tm) =	ssettm $0x1  }
0x91: {  	s18 =	sld [smem:$0x3FFB];
	_ =	sdelay $0x3  }
0x92: {  	_ =	strace s18  }
0x93: {  	s3 =	sld [smem:$0x3FFC];
	_ =	sdelay $0x3  }
0x94: {  	_ =	strace s3  }
0x95: {  	s3 =	sld [smem:$0x3FFD];
	_ =	sdelay $0x3  }
0x96: {  	_ =	strace s3  }
0x97: {  	_ =	strace $0x8FFFFFFF  }
0x98: {  	s19 =	sld [smem:$0x3FDB];
	_ =	sdelay $0x1  }
0x99: {  	s4 =	simm.s32 $_scs_section_size  }
0x9a: {  	s5 =	simm.s32 $_size__tile_overlayer_lowered;
	s6 =	simm.s32 $_tile_overlayer_lowered  }
0x9b: {  	s22 =	simm.s32 $0x1BFF;
	s21 =	sshll.u32 s6, $0x1;
	s3 =	sadd.s32 s4, s19  }
0x9c: {  	s7 =	simm.s32 $0x0;
	s20 =	sshll.u32 s5, $0x1;
	s5 =	sadd.s32 s21, s3  }
0x9d: {  	[timem:s7], [sflag:s22] =	dma.local [hbm:s5], s20  }
0x9e: {  	_ =	swait.ge [sflag:s22], s20  }
0x9f: {  	s4 =	ssub.s32 $0x0, s20;
	[sflag:s22] =	ssyncset.done $0x0  }
0xa0: {  	[sflag:s22] =	ssyncadd.s32 s4;
	_ =	sdelay $0x1  }
0xa1: {  	s23 =	simm.s32 $0x1B8B  }
0xa2: {  	_ =	swait.ge [sflag:s23], $0x1  }
0xa3: {  	[sflag:s23] =	ssyncset.done $0x0  }
0xa4: {  	s25 =	simm.s32 $0x1B8E;
	s24 =	sld [smem:$0x3FFE];
	[sflag:s23] =	ssyncadd.s32 $0xFFFFFFFF  }
0xa5: {  	s26 =	simm.s32 $execute0_lowered;
	[smem:$0x3FD2] =	sst s25  }
0xa6: {  	s5 =	sshll.u32 s26, $0x1;
	_ =	strace $0x80000046;
	[dreg:$0x1] =	wrdreg $0xFFFFFFFF  }
0xa7: {  	s28 =	simm.s32 $_size_execute0_lowered;
	s3 =	sadd.s32 s3, s5;
	[dreg:$0x0] =	wrdreg $0x0  }
0xa8: {  	s5 =	sshll.u32 s28, $0x1;
	[dreg:$0x2] =	wrdreg s3  }
0xa9: {  	[dreg:$0x3] =	wrdreg s5  }
0xaa: {  	[dreg:$0x4] =	wrdreg $0xC0  }
0xab: {  	_ =	task [dreg:s7], $0x5FFFF  }
0xac: {  	[dreg:$0x1] =	wrdreg $0xFFFFFFFF  }
0xad: {  	[dreg:$0x0] =	wrdreg $0x60  }
0xae: {  	[dreg:$0x2] =	wrdreg s2  }
0xaf: {  	[dreg:$0x3] =	wrdreg s24  }
0xb0: {  	[dreg:$0x4] =	wrdreg $0x9  }
0xb1: {  	_ =	task.clear_ibuf [dreg:s7], $0x5FFFF;
	_ =	strace $0x90000046  }
0xb2: {  	s29 =	simm.s32 $0x9;
	_ =	strace $0x80000048  }
0xb3: {  	_ =	swait.ge [sflag:s29], $0x1  }
0xb4: {  	[sflag:s29] =	ssyncadd.s32 $0xFFFFFFFF  }
0xb5: {  	_ =	strace $0x90000048  }
0xb6: {  	_ =	sfence  }
0xb7: {  	s30 =	sld [smem:$0x0];
	_ =	sdelay $0x2  }
0xb8: {  	s31 =	sshll.u32 s1, $0xD;
	s1 =	sshrl.u32 s1, $0x2  }
0xb9: {  	s3 =	sand.u32 $0x4000, s31;
	s1 =	sadd.s32 s1, s30  }
0xba: {  	s0 =	sor.u32 s3, s0;
	s1 =	sshll.u32 s1, $0x11  }
0xbb: {  	s0 =	sor.u32 s1, s0  }
0xbc: {  	s0 =	sadd.s32 $0x8F2B, s0  }
0xbd: {  	[sflag:s0] =	ssyncadd.remote.s32 $0x1  }
0xbe: {  	_ =	sfence.sel $0xFFFF  }
0xbf: {  	[dreg:$0x0] =	wrdreg $0xFFFFFFFF;
	(pc) =	sbr.abs _section_cstart, $3  }
0xc0: {  	[dreg:$0x1] =	wrdreg $0xFFFFFFFF  }
0xc1: {  	_ =	task.clear_ibuf [dreg:s7], $0x2FFFF;
	_ =	strace $0x9FFFFFFF  }
0xc2: {  	(tm) =	ssettm $0x7FFFFFFF  }
0xc3: {  	_ =	shalt  }
tec
execute0_lowered:
.L_overlay_start_1:
0x0: {  	(tag) =	ssettag $0x1  }
0x1: {  	s1 =	srdreg.scid  }
0x2: {  	s3 =	rddreg [dreg:$0x0];
	s0 =	stileid.u32  }
0x3: {  	s5 =	rddreg [dreg:$0x1];
	s2 =	simm.s32 $0x0;
	s8 =	simm.s32 $0x80  }
0x4: {  	s26 =	simm.s32 $0x880;
	s9 =	simm.s32 $0x1080;
	s10 =	simm.s32 $0x1880  }
0x5: {  	s11 =	simm.s32 $0x2080;
	s12 =	simm.s32 $0x2880;
	s13 =	simm.s32 $0x3080  }
0x6: {  	s14 =	simm.s32 $0x3880;
	s15 =	simm.s32 $0x4080;
	s16 =	simm.s32 $0x4880  }
0x7: {  	s17 =	simm.s32 $0x5080;
	s18 =	simm.s32 $0x5880;
	s19 =	simm.s32 $0x6080  }
0x8: {  	s20 =	simm.s32 $0x6880;
	s21 =	simm.s32 $0x7080;
	s22 =	simm.s32 $0x7880  }
0x9: {  	s23 =	simm.s32 $0x8080;
	s24 =	simm.s32 $0x8880;
	s25 =	simm.s32 $0x9080  }
0xa: {  	s28 =	simm.s32 $0xA080;
	s29 =	simm.s32 $0xA880;
	s30 =	simm.s32 $0xB080  }
0xb: {  	s31 =	simm.s32 $0xB880;
	s1 =	sand.u32 $0x1, s1;
	[smem:$0x7FF] =	sst s2  }
0xc: {  	s4 =	sshll.u32 s0, $0x4;
	s6 =	sshll.u32 s1, $0x3;
	_ =	strace $0x80000047  }
0xd: {  	s1 =	ssub.s32 $0x2, s1;
	[dreg:$0x5] =	wrdreg s26;
	s4 =	sor.u32 s6, s4  }
0xe: {  	s7 =	sshrl.u32 s1, $0x1;
	s6 =	sadd.s32 s4, s5;
	s4 =	smul.u32 $0x300, s4  }
0xf: {  	s26 =	simm.s32 $0x9880;
	s1 =	ssub.s32 s1, s7;
	s6 =	sadd.s32 $0x1C00, s6  }
0x10: {  	v2 =	vlaneseq.u32;
	s7 =	simm.s32 $0x2;
	[dreg:$0x3] =	wrdreg s6;
	s4 =	sadd.s32 s3, s4  }
0x11: {  	vm0 =	vmmov $0xffff;
	v1 =	vshrl.u32 v2, $0x3;
	s3 =	sadd.s32 $0x1E00, s5;
	s6 =	smax.u32 s1, $0x1;
	s1 =	simm.s32 $0x1  }
0x12: {  	v0 =	vand.u32 $0x7, v2;
	v2 =	vor.u32 $0x8, v2;
	v1 =	vmul.u32 $0x8, v1;
	[dreg:$0x4] =	wrdreg s4;
	s4 =	sadd.s32 $0x1F00, s5;
	s5 =	sadd.s32 $0x2000, s5  }
.LBB2_1:
0x13: {  	s0 =	rddreg [dreg:$0x3]  }
0x14: {  	[tilespmem:s2], [sflag:$0x2] =	stream.linear.gather [hbm4b:s0+s2], $0x40, $0x38;
	[tilespmem:$0xC080] =	vst v63  }
0x15: {  	_ =	swait.ge [sflag:s7], $0x40  }
0x16: {  	[sflag:s7] =	ssyncset.done $0x0  }
0x17: {  	s0 =	rddreg [dreg:$0x4];
	[sflag:s7] =	ssyncadd.s32 $0xFFFFFFC0  }
0x18: {  	[tilespmem:s8], [sflag:$0x2] =	stream.linear.gather [hbm4b:s0+s2], $0xC000, $0x38;
	[tilespmem:$0xC080] =	vst v63  }
0x19: {  	_ =	swait.ge [sflag:s7], $0xC000  }
0x1a: {  	[sflag:s7] =	ssyncset.done $0x0  }
0x1b: {  	[sflag:s7] =	ssyncadd.s32 $0xFFFF4000  }
0x1c: {  	v3 =	vld [tilespmem:$0x0];
	_ =	sdelay $0x4  }
0x1d: {  	v4 =	vshrl.u32 v3, $0x3  }
0x1e: {  	v4 =	vmul.u32 $0x30, v4  }
0x1f: {  	v3 =	vand.u32 $0x7, v3  }
0x20: {  	v3 =	vor.u32 v3, v4  }
0x21: {  	v4 =	vperm.xlane v3, v0;
	_ =	sdelay $0x1  }
0x22: {  	v4 =	vadd.s32 v1, v4;
	_ =	sdelay $0x3  }
0x23: {  	v3 =	vperm.xlane v3, v2  }
0x24: {  	[hbm4b:s3+s2] =	stream.indirect_vreg.scatter [tilespmem:s8], [sflag:$0x1], $0x80, v4, vm0, $0xb8;
	[tilespmem:$0xC080] =	vst v63  }
0x25: {  	s0 =	rddreg [dreg:$0x5];
	v3 =	vadd.s32 v1, v3  }
0x26: {  	[hbm4b:s4+s2] =	stream.indirect_vreg.scatter [tilespmem:s0], [sflag:$0x1], $0x80, v4, vm0, $0xb8;
	[tilespmem:$0xC080] =	vst v63  }
0x27: {  	_ = 	snop  }
0x28: {  	[hbm4b:s5+s2] =	stream.indirect_vreg.scatter [tilespmem:s9], [sflag:$0x1], $0x80, v4, vm0, $0xb8;
	[tilespmem:$0xC080] =	vst v63  }
0x29: {  	_ = 	snop  }
0x2a: {  	[hbm4b:s3+s2] =	stream.indirect_vreg.scatter [tilespmem:s10], [sflag:$0x1], $0x80, v3, vm0, $0xb8;
	[tilespmem:$0xC080] =	vst v63  }
0x2b: {  	_ = 	snop  }
0x2c: {  	[hbm4b:s4+s2] =	stream.indirect_vreg.scatter [tilespmem:s11], [sflag:$0x1], $0x80, v3, vm0, $0xb8;
	[tilespmem:$0xC080] =	vst v63  }
0x2d: {  	_ = 	snop  }
0x2e: {  	[hbm4b:s5+s2] =	stream.indirect_vreg.scatter [tilespmem:s12], [sflag:$0x1], $0x80, v3, vm0, $0xb8;
	[tilespmem:$0xC080] =	vst v63  }
0x2f: {  	v3 =	vld [tilespmem:$0x10];
	_ =	sdelay $0x4  }
0x30: {  	v61 =	vshrl.u32 v3, $0x3  }
0x31: {  	v4 =	vmul.u32 $0x30, v61  }
0x32: {  	v3 =	vand.u32 $0x7, v3  }
0x33: {  	v3 =	vor.u32 v3, v4  }
0x34: {  	v4 =	vperm.xlane v3, v0;
	_ =	sdelay $0x1  }
0x35: {  	v4 =	vadd.s32 v1, v4;
	_ =	sdelay $0x3  }
0x36: {  	v3 =	vperm.xlane v3, v2  }
0x37: {  	[hbm4b:s3+s2] =	stream.indirect_vreg.scatter [tilespmem:s13], [sflag:$0x1], $0x80, v4, vm0, $0xb8;
	[tilespmem:$0xC080] =	vst v63  }
0x38: {  	v3 =	vadd.s32 v1, v3  }
0x39: {  	[hbm4b:s4+s2] =	stream.indirect_vreg.scatter [tilespmem:s14], [sflag:$0x1], $0x80, v4, vm0, $0xb8;
	[tilespmem:$0xC080] =	vst v63  }
0x3a: {  	_ = 	snop  }
0x3b: {  	[hbm4b:s5+s2] =	stream.indirect_vreg.scatter [tilespmem:s15], [sflag:$0x1], $0x80, v4, vm0, $0xb8;
	[tilespmem:$0xC080] =	vst v63  }
0x3c: {  	_ = 	snop  }
0x3d: {  	[hbm4b:s3+s2] =	stream.indirect_vreg.scatter [tilespmem:s16], [sflag:$0x1], $0x80, v3, vm0, $0xb8;
	[tilespmem:$0xC080] =	vst v63  }
0x3e: {  	_ = 	snop  }
0x3f: {  	[hbm4b:s4+s2] =	stream.indirect_vreg.scatter [tilespmem:s17], [sflag:$0x1], $0x80, v3, vm0, $0xb8;
	[tilespmem:$0xC080] =	vst v63  }
0x40: {  	_ = 	snop  }
0x41: {  	[hbm4b:s5+s2] =	stream.indirect_vreg.scatter [tilespmem:s18], [sflag:$0x1], $0x80, v3, vm0, $0xb8;
	[tilespmem:$0xC080] =	vst v63  }
0x42: {  	v3 =	vld [tilespmem:$0x20];
	_ =	sdelay $0x4  }
0x43: {  	v62 =	vshrl.u32 v3, $0x3  }
0x44: {  	v4 =	vmul.u32 $0x30, v62  }
0x45: {  	v3 =	vand.u32 $0x7, v3  }
0x46: {  	v3 =	vor.u32 v3, v4  }
0x47: {  	v4 =	vperm.xlane v3, v0;
	_ =	sdelay $0x1  }
0x48: {  	v4 =	vadd.s32 v1, v4;
	_ =	sdelay $0x3  }
0x49: {  	v3 =	vperm.xlane v3, v2  }
0x4a: {  	[hbm4b:s3+s2] =	stream.indirect_vreg.scatter [tilespmem:s19], [sflag:$0x1], $0x80, v4, vm0, $0xb8;
	[tilespmem:$0xC080] =	vst v63  }
0x4b: {  	v3 =	vadd.s32 v1, v3  }
0x4c: {  	[hbm4b:s4+s2] =	stream.indirect_vreg.scatter [tilespmem:s20], [sflag:$0x1], $0x80, v4, vm0, $0xb8;
	[tilespmem:$0xC080] =	vst v63  }
0x4d: {  	_ = 	snop  }
0x4e: {  	[hbm4b:s5+s2] =	stream.indirect_vreg.scatter [tilespmem:s21], [sflag:$0x1], $0x80, v4, vm0, $0xb8;
	[tilespmem:$0xC080] =	vst v63  }
0x4f: {  	_ = 	snop  }
0x50: {  	[hbm4b:s3+s2] =	stream.indirect_vreg.scatter [tilespmem:s22], [sflag:$0x1], $0x80, v3, vm0, $0xb8;
	[tilespmem:$0xC080] =	vst v63  }
0x51: {  	_ = 	snop  }
0x52: {  	[hbm4b:s4+s2] =	stream.indirect_vreg.scatter [tilespmem:s23], [sflag:$0x1], $0x80, v3, vm0, $0xb8;
	[tilespmem:$0xC080] =	vst v63  }
0x53: {  	_ = 	snop  }
0x54: {  	[hbm4b:s5+s2] =	stream.indirect_vreg.scatter [tilespmem:s24], [sflag:$0x1], $0x80, v3, vm0, $0xb8;
	[tilespmem:$0xC080] =	vst v63  }
0x55: {  	v3 =	vld [tilespmem:$0x30];
	_ =	sdelay $0x4  }
0x56: {  	v63 =	vshrl.u32 v3, $0x3  }
0x57: {  	v4 =	vmul.u32 $0x30, v63  }
0x58: {  	v3 =	vand.u32 $0x7, v3  }
0x59: {  	v3 =	vor.u32 v3, v4  }
0x5a: {  	v4 =	vperm.xlane v3, v0;
	_ =	sdelay $0x1  }
0x5b: {  	v4 =	vadd.s32 v1, v4;
	_ =	sdelay $0x3  }
0x5c: {  	v3 =	vperm.xlane v3, v2  }
0x5d: {  	[hbm4b:s3+s2] =	stream.indirect_vreg.scatter [tilespmem:s25], [sflag:$0x1], $0x80, v4, vm0, $0xb8;
	[tilespmem:$0xC080] =	vst v63  }
0x5e: {  	v3 =	vadd.s32 v1, v3  }
0x5f: {  	[hbm4b:s4+s2] =	stream.indirect_vreg.scatter [tilespmem:s26], [sflag:$0x1], $0x80, v4, vm0, $0xb8;
	[tilespmem:$0xC080] =	vst v63  }
0x60: {  	_ = 	snop  }
0x61: {  	[hbm4b:s5+s2] =	stream.indirect_vreg.scatter [tilespmem:s28], [sflag:$0x1], $0x80, v4, vm0, $0xb8;
	[tilespmem:$0xC080] =	vst v63  }
0x62: {  	_ = 	snop  }
0x63: {  	[hbm4b:s3+s2] =	stream.indirect_vreg.scatter [tilespmem:s29], [sflag:$0x1], $0x80, v3, vm0, $0xb8;
	[tilespmem:$0xC080] =	vst v63  }
0x64: {  	p0 =	sne.s32 s6, $0x1  }
0x65: {  	[hbm4b:s4+s2] =	stream.indirect_vreg.scatter [tilespmem:s30], [sflag:$0x1], $0x80, v3, vm0, $0xb8;
	[tilespmem:$0xC080] =	vst v63  }
.Ltmp0:
0x66: {  	_ = 	snop;
	(pc) =	sbr.rel @p0 .LBB2_1-.Ltmp0, $4  }
0x67: {  	[hbm4b:s5+s2] =	stream.indirect_vreg.scatter [tilespmem:s31], [sflag:$0x1], $0x80, v3, vm0, $0xb8;
	[tilespmem:$0xC080] =	vst v63  }
0x68: {  	_ =	swait.ge [sflag:s1], $0xC000  }
0x69: {  	[sflag:s1] =	ssyncset.done $0x0  }
0x6a: {  	s6 =	sadd.s32 $0xFFFFFFFF, s6;
	[sflag:s1] =	ssyncadd.s32 $0xFFFF4000  }
0x6b: {  	_ =	sfence.sel $0x180000  }
0x6c: {  	[bflag:$0x0] =	sbarrier.arrive $0xFFFF  }
0x6d: {  	_ =	strace $0x90000047  }
0x6e: {  	s0 =	stileid.u32;
	[bflag:$0x2] =	sbarrier.arrive $0xFFFF  }
0x6f: {  	p0 =	sne.s32 s0, $0x0;
	s0 =	rddreg [dreg:$0x2]  }
0x70: {  	s0 =	sadd.s32 @!p0 $0x100000, s0  }
0x71: {  	[sflag:s0] =	ssyncadd.tile.s32 @!p0 $0x1;
	_ =	shalt  }
.Lfunc_end2:
_tile_overlayer_lowered:
.L_overlay_start_2:
0x72: {  	(tag) =	ssettag $0x2  }
0x73: {  	s0 =	rddreg [dreg:$0x0];
	s2 =	stileid.u32  }
0x74: {  	s1 =	rddreg [dreg:$0x1];
	p0 =	sne.s32 s2, $0x0  }
0x75: {  	s3 =	rddreg [dreg:$0x2];
	[bflag:$0x3] =	sbarrier.arrive $0xFFFF;
	s2 =	simm.s32 @!p0 $0x1C02  }
0x76: {  	[timem:s3], [sflag:s2] =	dma.local @!p0 [hbm:s0], s1  }
0x77: {  	s0 =	simm.s32 @!p0 $0x2  }
0x78: {  	_ =	swait.ge @!p0 [sflag:s0], s1  }
0x79: {  	s1 =	ssub.s32 @!p0 $0x0, s1;
	[sflag:s0] =	ssyncset.done @!p0 $0x0  }
0x7a: {  	[sflag:s0] =	ssyncadd.s32 @!p0 s1  }
0x7b: {  	[bflag:$0x3] =	sbarrier.arrive $0xFFFF  }
0x7c: {  	_ =	shalt  }

// kernel: kernel.9.cloned.1.call-start
scs
__scs_entry_jumppad:
0x0: {  	(pc) =	sbr.rel $0x88, $3  }
0x1: {  	(tag) =	ssettag $0x0;
	lr =	simm.s32 $0x1  }
0x2: {  	[smem:$0x3F98] =	sst lr;
	_ =	strace $0xD0000000  }
0x3: {  	_ = 	snop  }
0x4: {  	_ = 	snop  }
0x5: {  	_ = 	snop  }
0x6: {  	_ = 	snop  }
0x7: {  	_ = 	snop  }
__scs_overlays_trampoline_lowered:
0x8: {  	[smem:$0x3FA7] =	sst s0  }
0x9: {  	[smem:$0x3FA8] =	sst s1  }
0xa: {  	[smem:$0x3FA9] =	sst s2  }
0xb: {  	[smem:$0x3FAA] =	sst s3  }
0xc: {  	[smem:$0x3FAB] =	sst s4  }
0xd: {  	[smem:$0x3FAC] =	sst s5  }
0xe: {  	[smem:$0x3FAD] =	sst s6  }
0xf: {  	[smem:$0x3FAE] =	sst s7  }
0x10: {  	[smem:$0x3FAF] =	sst s8  }
0x11: {  	[smem:$0x3FB0] =	sst s9;
	s0 =	simm.s32 @!p0 $0x0  }
0x12: {  	s1 =	sld [smem:$0x3F96];
	s0 =	simm.s32 @p0 $0x1  }
0x13: {  	[smem:$0x3FB1] =	sst s0;
	s0 =	simm.s32 @!p1 $0x0  }
0x14: {  	s2 =	sld [smem:$0x3F95];
	s0 =	simm.s32 @p1 $0x1  }
0x15: {  	[smem:$0x3FB2] =	sst s0;
	s0 =	simm.s32 @!p2 $0x0  }
0x16: {  	s3 =	sld [smem:$0x3FDB];
	s0 =	simm.s32 @p2 $0x1  }
0x17: {  	s4 =	simm.s32 $0x1BF5;
	[smem:$0x3FB4] =	sst s0  }
0x18: {  	s0 =	sld [smem:$0x3F97];
	_ =	swait.ge [sflag:s4], $0x0  }
0x19: {  	s7 =	sld [smem:$0x3F98]  }
0x1a: {  	s8 =	sadd.s32 $0xFFFFE003, lr  }
0x1b: {  	s9 =	sadd.s32 $0xFFFFFEF7, lr;
	s5 =	simm.s32 $0xFFFFFFFF;
	p2 =	slt.u32 s8, $0xFFFFF086  }
0x1c: {  	p1 =	slt.u32 s9, $0xF7A;
	s5 =	simm.s32 @!p2 $0x0  }
0x1d: {  	s5 =	simm.s32 @p1 $0x1;
	p0 =	seq.s32 s7, s2  }
0x1e: {  	s7 =	smul.u32 @!p0 $0xF7A, s2;
	p2 =	seq.s32 @!p0 s5, $0x0  }
0x1f: {  	s9 =	smul.u32 $0xF7A, s1;
	s8 =	simm.s32 @!p0 $0x1BF5;
	p2 =	por !p2, p0  }
0x20: {  	[sflag:s8] =	ssyncset.s32 @!p0 $0xFFFFF086;
	s6 =	sadd.s32 @!p0 s3, s7;
	s7 =	simm.s32 @!p0 $0x108  }
0x21: {  	s3 =	sadd.s32 s3, s9;
	s6 =	sadd.s32 @!p0 $0x88, s6;
	s7 =	simm.s32 @p2 $0x1082  }
0x22: {  	[simem:s7], [sflag:s8] =	dma.local @!p0 [hbm:s6], $0xF7A  }
0x23: {  	s9 =	sor.u32 $0xD0000000, s2;
	s6 =	simm.s32 $0x108;
	_ =	swait.ge @!p0 [sflag:s8], $0x0  }
0x24: {  	s3 =	sadd.s32 $0x88, s3;
	s6 =	simm.s32 @!p1 $0x1082;
	[sflag:s4] =	ssyncset.s32 $0xFFFFF086  }
0x25: {  	[simem:s6], [sflag:s4] =	dma.local [hbm:s3], $0xF7A  }
0x26: {  	[smem:$0x3F98] =	sst s1;
	(tag) =	ssettag s2;
	_ =	strace s9  }
0x27: {  	s1 =	sld [smem:$0x3FA8]  }
0x28: {  	s2 =	sld [smem:$0x3FA9]  }
0x29: {  	s4 =	sld [smem:$0x3FAB]  }
0x2a: {  	p0 =	seq.s32 s5, $0x0;
	s5 =	sld [smem:$0x3FAC]  }
0x2b: {  	s6 =	sld [smem:$0x3FAD]  }
0x2c: {  	s7 =	sld [smem:$0x3FAE]  }
0x2d: {  	s3 =	simm.s32 $0x108;
	s8 =	sld [smem:$0x3FAF]  }
0x2e: {  	s3 =	simm.s32 @!p0 $0x1082;
	s9 =	sld [smem:$0x3FB0]  }
0x2f: {  	lr =	sadd.s32 s0, s3;
	s0 =	sld [smem:$0x3FA7]  }
0x30: {  	s3 =	sld [smem:$0x3FAA]  }
0x31: {  	[smem:$0x3FB3] =	sst s10  }
0x32: {  	s10 =	sld [smem:$0x3FB1];
	_ =	sdelay $0x3  }
0x33: {  	p0 =	seq.s32 s10, $0x1;
	s10 =	sld [smem:$0x3FB3];
	_ =	sdelay $0x3  }
0x34: {  	[smem:$0x3FB3] =	sst s10  }
0x35: {  	s10 =	sld [smem:$0x3FB2];
	_ =	sdelay $0x3  }
0x36: {  	p1 =	seq.s32 s10, $0x1;
	s10 =	sld [smem:$0x3FB3];
	_ =	sdelay $0x3  }
0x37: {  	[smem:$0x3FB3] =	sst s10  }
0x38: {  	s10 =	sld [smem:$0x3FB4]  }
0x39: {  	_ = 	snop;
	(pc) =	sbr.ind lr, $3  }
0x3a: {  	_ = 	snop  }
0x3b: {  	_ = 	snop  }
0x3c: {  	p2 =	seq.s32 s10, $0x1;
	s10 =	sld [smem:$0x3FB3]  }
0x3d: {  	_ =	shalt  }
0x3e: {  	_ =	shalt  }
0x3f: {  	_ =	shalt  }
0x40: {  	_ =	shalt  }
0x41: {  	_ =	shalt  }
0x42: {  	_ =	shalt  }
0x43: {  	_ =	shalt  }
0x44: {  	_ =	shalt  }
0x45: {  	_ =	shalt  }
0x46: {  	_ =	shalt  }
0x47: {  	_ =	shalt  }
0x48: {  	_ =	shalt  }
0x49: {  	_ =	shalt  }
0x4a: {  	_ =	shalt  }
0x4b: {  	_ =	shalt  }
0x4c: {  	_ =	shalt  }
0x4d: {  	_ =	shalt  }
0x4e: {  	_ =	shalt  }
0x4f: {  	_ =	shalt  }
0x50: {  	_ =	shalt  }
0x51: {  	_ =	shalt  }
0x52: {  	_ =	shalt  }
0x53: {  	_ =	shalt  }
0x54: {  	_ =	shalt  }
0x55: {  	_ =	shalt  }
0x56: {  	_ =	shalt  }
0x57: {  	_ =	shalt  }
0x58: {  	_ =	shalt  }
0x59: {  	_ =	shalt  }
0x5a: {  	_ =	shalt  }
0x5b: {  	_ =	shalt  }
0x5c: {  	_ =	shalt  }
0x5d: {  	_ =	shalt  }
0x5e: {  	_ =	shalt  }
0x5f: {  	_ =	shalt  }
0x60: {  	_ =	shalt  }
0x61: {  	_ =	shalt  }
0x62: {  	_ =	shalt  }
0x63: {  	_ =	shalt  }
0x64: {  	_ =	shalt  }
0x65: {  	_ =	shalt  }
0x66: {  	_ =	shalt  }
0x67: {  	_ =	shalt  }
0x68: {  	_ =	shalt  }
0x69: {  	_ =	shalt  }
0x6a: {  	_ =	shalt  }
0x6b: {  	_ =	shalt  }
0x6c: {  	_ =	shalt  }
0x6d: {  	_ =	shalt  }
0x6e: {  	_ =	shalt  }
0x6f: {  	_ =	shalt  }
0x70: {  	_ =	shalt  }
0x71: {  	_ =	shalt  }
0x72: {  	_ =	shalt  }
0x73: {  	_ =	shalt  }
0x74: {  	_ =	shalt  }
0x75: {  	_ =	shalt  }
0x76: {  	_ =	shalt  }
0x77: {  	_ =	shalt  }
0x78: {  	_ =	shalt  }
0x79: {  	_ =	shalt  }
0x7a: {  	_ =	shalt  }
0x7b: {  	_ =	shalt  }
0x7c: {  	_ =	shalt  }
0x7d: {  	_ =	shalt  }
0x7e: {  	_ =	shalt  }
0x7f: {  	_ =	shalt  }
0x80: {  	_ =	shalt  }
0x81: {  	_ =	shalt  }
0x82: {  	_ =	shalt  }
0x83: {  	_ =	shalt  }
0x84: {  	_ =	shalt  }
0x85: {  	_ =	shalt  }
0x86: {  	_ =	shalt  }
0x87: {  	_ =	shalt  }
.Lfunc_end0:
.L_simem_size_0:
called_computation.1_lowered:
.L_overlay_start_0:
0x88: {  	s2 =	sld [smem:$0x3FD9]  }
0x89: {  	s3 =	sld [smem:$0x3FFE];
	_ =	sdelay $0x1  }
0x8a: {  	s1 =	srdreg.scid  }
0x8b: {  	s0 =	sand.u32 $0x1, s1  }
0x8c: {  	s14 =	sshll.u32 s0, $0xA;
	s2 =	sadd.s32 s3, s2  }
0x8d: {  	s2 =	sadd.s32 s2, s14  }
0x8e: {  	[smem:$0x3FBF] =	sst s2  }
0x8f: {  	_ = 	snop  }
0x90: {  	s2 =	sld [smem:$0x3FD0];
	_ =	sdelay $0x2  }
0x91: {  	s15 =	simm.s32 $0xA;
	s4 =	simm.s32 $0x10  }
0x92: {  	[smem:s4], [sflag:s15] =	dma.local [hbm:s2], $0x1  }
0x93: {  	_ =	swait.eq [sflag:s15], $0x1  }
0x94: {  	[sflag:s15] =	ssyncset.done $0x0  }
0x95: {  	[sflag:s15] =	ssyncadd.s32 $0xFFFFFFFF  }
0x96: {  	s16 =	sld [smem:$0x10];
	(tm) =	ssettm $0x1  }
0x97: {  	s17 =	sld [smem:$0x3FFB];
	_ =	sdelay $0x3  }
0x98: {  	_ =	strace s17  }
0x99: {  	s3 =	sld [smem:$0x3FFC];
	_ =	sdelay $0x3  }
0x9a: {  	_ =	strace s3  }
0x9b: {  	s3 =	sld [smem:$0x3FFD];
	_ =	sdelay $0x3  }
0x9c: {  	_ =	strace s3  }
0x9d: {  	_ =	strace $0x8FFFFFFF  }
0x9e: {  	s18 =	sld [smem:$0x3FDB];
	_ =	sdelay $0x1  }
0x9f: {  	s19 =	simm.s32 $_scs_section_size  }
0xa0: {  	s5 =	simm.s32 $_size__tile_overlayer_lowered;
	s6 =	simm.s32 $_tile_overlayer_lowered  }
0xa1: {  	s22 =	simm.s32 $0x1BFF;
	s21 =	sshll.u32 s6, $0x1;
	s3 =	sadd.s32 s19, s18  }
0xa2: {  	s7 =	simm.s32 $0x0;
	s20 =	sshll.u32 s5, $0x1;
	s5 =	sadd.s32 s21, s3  }
0xa3: {  	[timem:s7], [sflag:s22] =	dma.local [hbm:s5], s20  }
0xa4: {  	_ =	swait.ge [sflag:s22], s20  }
0xa5: {  	s4 =	ssub.s32 $0x0, s20;
	[sflag:s22] =	ssyncset.done $0x0  }
0xa6: {  	[sflag:s22] =	ssyncadd.s32 s4;
	_ =	sdelay $0x1  }
0xa7: {  	s23 =	simm.s32 $0x1B8B  }
0xa8: {  	_ =	swait.ge [sflag:s23], $0x1  }
0xa9: {  	[sflag:s23] =	ssyncset.done $0x0  }
0xaa: {  	s25 =	simm.s32 $0x1B8E;
	s24 =	sld [smem:$0x3FFE];
	[sflag:s23] =	ssyncadd.s32 $0xFFFFFFFF  }
0xab: {  	s26 =	simm.s32 $execute0_lowered;
	[smem:$0x3FD2] =	sst s25  }
0xac: {  	s5 =	sshll.u32 s26, $0x1;
	_ =	strace $0x80000049;
	[dreg:$0x1] =	wrdreg $0xFFFFFFFF  }
0xad: {  	s28 =	simm.s32 $_size_execute0_lowered;
	s3 =	sadd.s32 s3, s5;
	[dreg:$0x0] =	wrdreg $0x0  }
0xae: {  	s5 =	sshll.u32 s28, $0x1;
	[dreg:$0x2] =	wrdreg s3  }
0xaf: {  	[dreg:$0x3] =	wrdreg s5  }
0xb0: {  	[dreg:$0x4] =	wrdreg $0xC0  }
0xb1: {  	_ =	task [dreg:s7], $0x5FFFF  }
0xb2: {  	[dreg:$0x1] =	wrdreg $0xFFFFFFFF  }
0xb3: {  	[dreg:$0x0] =	wrdreg $0x60  }
0xb4: {  	[dreg:$0x2] =	wrdreg s24  }
0xb5: {  	[dreg:$0x3] =	wrdreg s16  }
0xb6: {  	[dreg:$0x4] =	wrdreg $0x9  }
0xb7: {  	_ =	task.clear_ibuf [dreg:s7], $0x5FFFF;
	_ =	strace $0x90000049  }
0xb8: {  	s29 =	simm.s32 $0x9;
	_ =	strace $0x8000004B  }
0xb9: {  	_ =	swait.ge [sflag:s29], $0x1  }
0xba: {  	[sflag:s29] =	ssyncadd.s32 $0xFFFFFFFF  }
0xbb: {  	_ =	strace $0x9000004B  }
0xbc: {  	_ =	sfence  }
0xbd: {  	s30 =	sld [smem:$0x0];
	_ =	sdelay $0x2  }
0xbe: {  	s31 =	sshll.u32 s1, $0xD;
	s1 =	sshrl.u32 s1, $0x2  }
0xbf: {  	s3 =	sand.u32 $0x4000, s31;
	s1 =	sadd.s32 s1, s30  }
0xc0: {  	s0 =	sor.u32 s3, s0;
	s1 =	sshll.u32 s1, $0x11  }
0xc1: {  	s0 =	sor.u32 s1, s0  }
0xc2: {  	s0 =	sadd.s32 $0x8F2B, s0  }
0xc3: {  	[sflag:s0] =	ssyncadd.remote.s32 $0x1  }
0xc4: {  	_ =	sfence.sel $0xFFFF  }
0xc5: {  	[dreg:$0x0] =	wrdreg $0xFFFFFFFF;
	(pc) =	sbr.abs _section_cstart, $3  }
0xc6: {  	[dreg:$0x1] =	wrdreg $0xFFFFFFFF  }
0xc7: {  	_ =	task.clear_ibuf [dreg:s7], $0x2FFFF;
	_ =	strace $0x9FFFFFFF  }
0xc8: {  	(tm) =	ssettm $0x7FFFFFFF  }
0xc9: {  	_ =	shalt  }
tec
execute0_lowered:
.L_overlay_start_1:
0x0: {  	(tag) =	ssettag $0x1  }
0x1: {  	s0 =	rddreg [dreg:$0x0]  }
0x2: {  	s5 =	rddreg [dreg:$0x1];
	s3 =	srdreg.scid  }
0x3: {  	s2 =	simm.s32 $0x0;
	s1 =	stileid.u32;
	s26 =	simm.s32 $0x880  }
0x4: {  	s10 =	simm.s32 $0x1880;
	s11 =	simm.s32 $0x2080;
	s12 =	simm.s32 $0x2880  }
0x5: {  	s13 =	simm.s32 $0x3080;
	s14 =	simm.s32 $0x3880;
	s15 =	simm.s32 $0x4080  }
0x6: {  	s16 =	simm.s32 $0x4880;
	s17 =	simm.s32 $0x5080;
	s18 =	simm.s32 $0x5880  }
0x7: {  	s19 =	simm.s32 $0x6080;
	s20 =	simm.s32 $0x6880;
	s21 =	simm.s32 $0x7080  }
0x8: {  	s22 =	simm.s32 $0x7880;
	s28 =	simm.s32 $0xA080;
	s29 =	simm.s32 $0xA880  }
0x9: {  	s30 =	simm.s32 $0xB080;
	s31 =	simm.s32 $0xB880;
	s3 =	sand.u32 $0x1, s3  }
0xa: {  	[smem:$0x7FF] =	sst s2;
	s4 =	sshll.u32 s1, $0x4;
	s6 =	sshll.u32 s3, $0x3  }
0xb: {  	_ =	strace $0x8000004A;
	s23 =	ssub.s32 $0x2, s3;
	s3 =	sadd.s32 $0x1E00, s0  }
0xc: {  	[dreg:$0x5] =	wrdreg s26;
	s26 =	simm.s32 $0x9880;
	s4 =	sor.u32 s6, s4  }
0xd: {  	s8 =	sshrl.u32 s23, $0x1;
	s7 =	sadd.s32 s4, s0;
	s9 =	smul.u32 $0x300, s4  }
0xe: {  	s6 =	ssub.s32 s23, s8;
	s4 =	sadd.s32 $0x1F00, s0;
	s8 =	simm.s32 $0x80  }
0xf: {  	s23 =	simm.s32 $0x8080;
	s24 =	sadd.s32 $0x1C00, s7;
	s6 =	smax.u32 s6, $0x1  }
0x10: {  	v2 =	vlaneseq.u32;
	s7 =	simm.s32 $0x2;
	[dreg:$0x3] =	wrdreg s24;
	s25 =	sadd.s32 s5, s9  }
0x11: {  	vm0 =	vmmov $0xffff;
	v1 =	vshrl.u32 v2, $0x3;
	s5 =	sadd.s32 $0x2000, s0;
	s9 =	simm.s32 $0x1080;
	s24 =	simm.s32 $0x8880  }
0x12: {  	v0 =	vand.u32 $0x7, v2;
	v2 =	vor.u32 $0x8, v2;
	v1 =	vmul.u32 $0x8, v1;
	s0 =	simm.s32 $0x1;
	[dreg:$0x4] =	wrdreg s25;
	s25 =	simm.s32 $0x9080  }
.LBB2_1:
0x13: {  	s1 =	rddreg [dreg:$0x3]  }
0x14: {  	[tilespmem:s2], [sflag:$0x2] =	stream.linear.gather [hbm4b:s1+s2], $0x40, $0x38;
	[tilespmem:$0xC080] =	vst v63  }
0x15: {  	_ =	swait.ge [sflag:s7], $0x40  }
0x16: {  	[sflag:s7] =	ssyncset.done $0x0  }
0x17: {  	[sflag:s7] =	ssyncadd.s32 $0xFFFFFFC0  }
0x18: {  	v3 =	vld [tilespmem:$0x0];
	_ =	sdelay $0x4  }
0x19: {  	v4 =	vshrl.u32 v3, $0x3  }
0x1a: {  	v4 =	vmul.u32 $0x30, v4  }
0x1b: {  	v3 =	vand.u32 $0x7, v3  }
0x1c: {  	v3 =	vor.u32 v3, v4  }
0x1d: {  	v4 =	vperm.xlane v3, v0;
	_ =	sdelay $0x1  }
0x1e: {  	v4 =	vadd.s32 v1, v4;
	_ =	sdelay $0x3  }
0x1f: {  	v3 =	vperm.xlane v3, v2  }
0x20: {  	[tilespmem:s8], [sflag:$0x1] =	stream.indirect_vreg.gather [hbm4b:s3+s2], $0x80, v4, vm0, $0xb8;
	[tilespmem:$0xC080] =	vst v63  }
0x21: {  	s1 =	rddreg [dreg:$0x5];
	v3 =	vadd.s32 v1, v3  }
0x22: {  	[tilespmem:s1], [sflag:$0x1] =	stream.indirect_vreg.gather [hbm4b:s4+s2], $0x80, v4, vm0, $0xb8;
	[tilespmem:$0xC080] =	vst v63  }
0x23: {  	_ = 	snop  }
0x24: {  	[tilespmem:s9], [sflag:$0x1] =	stream.indirect_vreg.gather [hbm4b:s5+s2], $0x80, v4, vm0, $0xb8;
	[tilespmem:$0xC080] =	vst v63  }
0x25: {  	_ = 	snop  }
0x26: {  	[tilespmem:s10], [sflag:$0x1] =	stream.indirect_vreg.gather [hbm4b:s3+s2], $0x80, v3, vm0, $0xb8;
	[tilespmem:$0xC080] =	vst v63  }
0x27: {  	_ = 	snop  }
0x28: {  	[tilespmem:s11], [sflag:$0x1] =	stream.indirect_vreg.gather [hbm4b:s4+s2], $0x80, v3, vm0, $0xb8;
	[tilespmem:$0xC080] =	vst v63  }
0x29: {  	_ = 	snop  }
0x2a: {  	[tilespmem:s12], [sflag:$0x1] =	stream.indirect_vreg.gather [hbm4b:s5+s2], $0x80, v3, vm0, $0xb8;
	[tilespmem:$0xC080] =	vst v63  }
0x2b: {  	v3 =	vld [tilespmem:$0x10];
	_ =	sdelay $0x4  }
0x2c: {  	v61 =	vshrl.u32 v3, $0x3  }
0x2d: {  	v4 =	vmul.u32 $0x30, v61  }
0x2e: {  	v3 =	vand.u32 $0x7, v3  }
0x2f: {  	v3 =	vor.u32 v3, v4  }
0x30: {  	v4 =	vperm.xlane v3, v0;
	_ =	sdelay $0x1  }
0x31: {  	v4 =	vadd.s32 v1, v4;
	_ =	sdelay $0x3  }
0x32: {  	v3 =	vperm.xlane v3, v2  }
0x33: {  	[tilespmem:s13], [sflag:$0x1] =	stream.indirect_vreg.gather [hbm4b:s3+s2], $0x80, v4, vm0, $0xb8;
	[tilespmem:$0xC080] =	vst v63  }
0x34: {  	v3 =	vadd.s32 v1, v3  }
0x35: {  	[tilespmem:s14], [sflag:$0x1] =	stream.indirect_vreg.gather [hbm4b:s4+s2], $0x80, v4, vm0, $0xb8;
	[tilespmem:$0xC080] =	vst v63  }
0x36: {  	_ = 	snop  }
0x37: {  	[tilespmem:s15], [sflag:$0x1] =	stream.indirect_vreg.gather [hbm4b:s5+s2], $0x80, v4, vm0, $0xb8;
	[tilespmem:$0xC080] =	vst v63  }
0x38: {  	_ = 	snop  }
0x39: {  	[tilespmem:s16], [sflag:$0x1] =	stream.indirect_vreg.gather [hbm4b:s3+s2], $0x80, v3, vm0, $0xb8;
	[tilespmem:$0xC080] =	vst v63  }
0x3a: {  	_ = 	snop  }
0x3b: {  	[tilespmem:s17], [sflag:$0x1] =	stream.indirect_vreg.gather [hbm4b:s4+s2], $0x80, v3, vm0, $0xb8;
	[tilespmem:$0xC080] =	vst v63  }
0x3c: {  	_ = 	snop  }
0x3d: {  	[tilespmem:s18], [sflag:$0x1] =	stream.indirect_vreg.gather [hbm4b:s5+s2], $0x80, v3, vm0, $0xb8;
	[tilespmem:$0xC080] =	vst v63  }
0x3e: {  	v3 =	vld [tilespmem:$0x20];
	_ =	sdelay $0x4  }
0x3f: {  	v62 =	vshrl.u32 v3, $0x3  }
0x40: {  	v4 =	vmul.u32 $0x30, v62  }
0x41: {  	v3 =	vand.u32 $0x7, v3  }
0x42: {  	v3 =	vor.u32 v3, v4  }
0x43: {  	v4 =	vperm.xlane v3, v0;
	_ =	sdelay $0x1  }
0x44: {  	v4 =	vadd.s32 v1, v4;
	_ =	sdelay $0x3  }
0x45: {  	v3 =	vperm.xlane v3, v2  }
0x46: {  	[tilespmem:s19], [sflag:$0x1] =	stream.indirect_vreg.gather [hbm4b:s3+s2], $0x80, v4, vm0, $0xb8;
	[tilespmem:$0xC080] =	vst v63  }
0x47: {  	v3 =	vadd.s32 v1, v3  }
0x48: {  	[tilespmem:s20], [sflag:$0x1] =	stream.indirect_vreg.gather [hbm4b:s4+s2], $0x80, v4, vm0, $0xb8;
	[tilespmem:$0xC080] =	vst v63  }
0x49: {  	_ = 	snop  }
0x4a: {  	[tilespmem:s21], [sflag:$0x1] =	stream.indirect_vreg.gather [hbm4b:s5+s2], $0x80, v4, vm0, $0xb8;
	[tilespmem:$0xC080] =	vst v63  }
0x4b: {  	_ = 	snop  }
0x4c: {  	[tilespmem:s22], [sflag:$0x1] =	stream.indirect_vreg.gather [hbm4b:s3+s2], $0x80, v3, vm0, $0xb8;
	[tilespmem:$0xC080] =	vst v63  }
0x4d: {  	_ = 	snop  }
0x4e: {  	[tilespmem:s23], [sflag:$0x1] =	stream.indirect_vreg.gather [hbm4b:s4+s2], $0x80, v3, vm0, $0xb8;
	[tilespmem:$0xC080] =	vst v63  }
0x4f: {  	_ = 	snop  }
0x50: {  	[tilespmem:s24], [sflag:$0x1] =	stream.indirect_vreg.gather [hbm4b:s5+s2], $0x80, v3, vm0, $0xb8;
	[tilespmem:$0xC080] =	vst v63  }
0x51: {  	v3 =	vld [tilespmem:$0x30];
	_ =	sdelay $0x4  }
0x52: {  	v63 =	vshrl.u32 v3, $0x3  }
0x53: {  	v4 =	vmul.u32 $0x30, v63  }
0x54: {  	v3 =	vand.u32 $0x7, v3  }
0x55: {  	v3 =	vor.u32 v3, v4  }
0x56: {  	v4 =	vperm.xlane v3, v0;
	_ =	sdelay $0x1  }
0x57: {  	v4 =	vadd.s32 v1, v4;
	_ =	sdelay $0x3  }
0x58: {  	v3 =	vperm.xlane v3, v2  }
0x59: {  	[tilespmem:s25], [sflag:$0x1] =	stream.indirect_vreg.gather [hbm4b:s3+s2], $0x80, v4, vm0, $0xb8;
	[tilespmem:$0xC080] =	vst v63  }
0x5a: {  	v3 =	vadd.s32 v1, v3  }
0x5b: {  	[tilespmem:s26], [sflag:$0x1] =	stream.indirect_vreg.gather [hbm4b:s4+s2], $0x80, v4, vm0, $0xb8;
	[tilespmem:$0xC080] =	vst v63  }
0x5c: {  	_ = 	snop  }
0x5d: {  	[tilespmem:s28], [sflag:$0x1] =	stream.indirect_vreg.gather [hbm4b:s5+s2], $0x80, v4, vm0, $0xb8;
	[tilespmem:$0xC080] =	vst v63  }
0x5e: {  	_ = 	snop  }
0x5f: {  	[tilespmem:s29], [sflag:$0x1] =	stream.indirect_vreg.gather [hbm4b:s3+s2], $0x80, v3, vm0, $0xb8;
	[tilespmem:$0xC080] =	vst v63  }
0x60: {  	_ = 	snop  }
0x61: {  	[tilespmem:s30], [sflag:$0x1] =	stream.indirect_vreg.gather [hbm4b:s4+s2], $0x80, v3, vm0, $0xb8;
	[tilespmem:$0xC080] =	vst v63  }
0x62: {  	_ = 	snop  }
0x63: {  	[tilespmem:s31], [sflag:$0x1] =	stream.indirect_vreg.gather [hbm4b:s5+s2], $0x80, v3, vm0, $0xb8;
	[tilespmem:$0xC080] =	vst v63  }
0x64: {  	_ =	swait.ge [sflag:s0], $0xC000  }
0x65: {  	p0 =	sne.s32 s6, $0x1;
	[sflag:s0] =	ssyncset.done $0x0  }
.Ltmp0:
0x66: {  	s1 =	rddreg [dreg:$0x4];
	[sflag:s0] =	ssyncadd.s32 $0xFFFF4000;
	(pc) =	sbr.rel @p0 .LBB2_1-.Ltmp0, $4  }
0x67: {  	[hbm4b:s1+s2] =	stream.linear.scatter [tilespmem:s8], [sflag:$0x2], $0xC000, $0x38;
	[tilespmem:$0xC080] =	vst v63  }
0x68: {  	_ =	swait.ge [sflag:s7], $0xC000  }
0x69: {  	[sflag:s7] =	ssyncset.done $0x0  }
0x6a: {  	s6 =	sadd.s32 $0xFFFFFFFF, s6;
	[sflag:s7] =	ssyncadd.s32 $0xFFFF4000  }
0x6b: {  	_ =	sfence.sel $0x180000  }
0x6c: {  	[bflag:$0x0] =	sbarrier.arrive $0xFFFF  }
0x6d: {  	_ =	strace $0x9000004A  }
0x6e: {  	s0 =	stileid.u32;
	[bflag:$0x2] =	sbarrier.arrive $0xFFFF  }
0x6f: {  	p0 =	sne.s32 s0, $0x0;
	s0 =	rddreg [dreg:$0x2]  }
0x70: {  	s0 =	sadd.s32 @!p0 $0x100000, s0  }
0x71: {  	[sflag:s0] =	ssyncadd.tile.s32 @!p0 $0x1;
	_ =	shalt  }
.Lfunc_end2:
_tile_overlayer_lowered:
.L_overlay_start_2:
0x72: {  	(tag) =	ssettag $0x2  }
0x73: {  	s0 =	rddreg [dreg:$0x0];
	s2 =	stileid.u32  }
0x74: {  	s1 =	rddreg [dreg:$0x1];
	p0 =	sne.s32 s2, $0x0  }
0x75: {  	s3 =	rddreg [dreg:$0x2];
	[bflag:$0x3] =	sbarrier.arrive $0xFFFF;
	s2 =	simm.s32 @!p0 $0x1C02  }
0x76: {  	[timem:s3], [sflag:s2] =	dma.local @!p0 [hbm:s0], s1  }
0x77: {  	s0 =	simm.s32 @!p0 $0x2  }
0x78: {  	_ =	swait.ge @!p0 [sflag:s0], s1  }
0x79: {  	s1 =	ssub.s32 @!p0 $0x0, s1;
	[sflag:s0] =	ssyncset.done @!p0 $0x0  }
0x7a: {  	[sflag:s0] =	ssyncadd.s32 @!p0 s1  }
0x7b: {  	[bflag:$0x3] =	sbarrier.arrive $0xFFFF  }
0x7c: {  	_ =	shalt  }

</sc_bundles>
